<compile_context>
chip_gen: v7x
topology: tpu7x:2x2x1
jax: 0.10.2.dev20260603
libtpu: 0.0.44.dev20260713+nightly
codegen_flags: <defaults>
</compile_context>

<pallas_src>
import functools

import jax
import jax.numpy as jnp
from jax import lax
from jax.experimental import pallas as pl
from jax.experimental.pallas import tpu as pltpu
from jax.experimental.pallas import tpu_sc as plsc

B = 16384
K = 32
L = 16
NC = 2
NS = 16
NW = NC * NS
BPW = B // NW
NCHUNK = 4
CHUNK = BPW // NCHUNK
GROUPS = BPW // L


def _mf_kernel(uid_hbm, iid_hbm, uemb_hbm, iemb_hbm, out_hbm,
               uidx_v, iidx_v, urows_v, irows_v, out_v, sem):
    wid = lax.axis_index("s") * NC + lax.axis_index("c")

    pltpu.sync_copy(uid_hbm.at[pl.ds(wid * NCHUNK, NCHUNK)], uidx_v)
    pltpu.sync_copy(iid_hbm.at[pl.ds(wid * NCHUNK, NCHUNK)], iidx_v)

    copies = []
    for j in range(NCHUNK):
        copies.append(pltpu.async_copy(
            uemb_hbm.at[uidx_v.at[j]], urows_v.at[pl.ds(j * CHUNK, CHUNK)], sem))
        copies.append(pltpu.async_copy(
            iemb_hbm.at[iidx_v.at[j]], irows_v.at[pl.ds(j * CHUNK, CHUNK)], sem))
    for c in copies:
        c.wait()

    lane = lax.iota(jnp.int32, L)

    def group_body(g, carry):
        row = g * L + lane
        acc = jnp.zeros((L,), jnp.float32)
        for k in range(K):
            col = (lane + k) & (K - 1)
            u = plsc.load_gather(urows_v, [row, col])
            v = plsc.load_gather(irows_v, [row, col])
            acc = acc + u * v
        out_v[pl.ds(g * L, L)] = 1.0 / (1.0 + jnp.exp(-acc))
        return carry

    lax.fori_loop(0, GROUPS, group_body, 0)

    pltpu.sync_copy(out_v, out_hbm.at[pl.ds(wid * BPW, BPW)])


@jax.jit
def kernel(user_id, item_ids, user_emb, item_emb):
    uid2d = jnp.asarray(user_id, jnp.int32).reshape(NW * NCHUNK, CHUNK)
    iid2d = jnp.asarray(item_ids, jnp.int32).reshape(NW * NCHUNK, CHUNK)

    run = functools.partial(
        pl.kernel,
        mesh=plsc.VectorSubcoreMesh(core_axis_name="c", subcore_axis_name="s"),
        out_type=jax.ShapeDtypeStruct((B,), jnp.float32),
        compiler_params=pltpu.CompilerParams(
            needs_layout_passes=False, use_tc_tiling_on_sc=False),
        scratch_types=[
            pltpu.VMEM((NCHUNK, CHUNK), jnp.int32),
            pltpu.VMEM((NCHUNK, CHUNK), jnp.int32),
            pltpu.VMEM((BPW, K), jnp.float32),
            pltpu.VMEM((BPW, K), jnp.float32),
            pltpu.VMEM((BPW,), jnp.float32),
            pltpu.SemaphoreType.DMA,
        ],
    )(_mf_kernel)
    return run(uid2d, iid2d, user_emb, item_emb)

# --- scband reference (transcript-rebuilt; emitter-appended) ---
"""Pipeline reference for scband-mf-44693429682880 (READ-ONLY COPY).

The authoritative reference and input builder live on the scoring server;
editing this copy changes nothing except your own understanding.
"""

import jax, jax.numpy as jnp
import numpy as np

N_USERS = 1000000
N_ITEMS = 1000000
K = 32
BATCH = 16384

def setup_inputs(seed: int = 0) -> dict:
    key = jax.random.key(seed)
    k1, k2, k3, k4 = jax.random.split(key, 4)
    user_id = jax.random.randint(k1, (BATCH,), 0, N_USERS, dtype=jnp.int64 if jax.config.read('jax_enable_x64') else jnp.int32)
    item_ids = jax.random.randint(k2, (BATCH,), 0, N_ITEMS, dtype=jnp.int64 if jax.config.read('jax_enable_x64') else jnp.int32)
    user_emb = jax.random.normal(k3, (N_USERS, K), dtype=jnp.float32)
    item_emb = jax.random.normal(k4, (N_ITEMS, K), dtype=jnp.float32)
    return {"user_id": user_id, "item_ids": item_ids, "user_emb": user_emb, "item_emb": item_emb}

def reference(user_id, item_ids, user_emb, item_emb):
    u = jnp.take(user_emb, user_id, axis=0)
    i = jnp.take(item_emb, item_ids, axis=0)
    scores = (u * i).sum(axis=-1)
    return jax.nn.sigmoid(scores)

if __name__ == "__main__":
    import jax
    _d = setup_inputs()
    print(jax.jit(kernel)(*tuple(_d.values())))

</pallas_src>

<mosaic_0001>
#map = affine_map<(d0, d1) -> (0, 0)>
#map1 = affine_map<(d0, d1) -> (0)>
module attributes {stable_mosaic.version = 14 : i64} {
  func.func @_mf_kernel(%arg0: i32, %arg1: i32, %arg2: memref<128x128xi32, #tpu.memory_space<hbm>>, %arg3: memref<128x128xi32, #tpu.memory_space<hbm>>, %arg4: memref<1000000x32xf32, #tpu.memory_space<hbm>>, %arg5: memref<1000000x32xf32, #tpu.memory_space<hbm>>, %arg6: memref<16384xf32, #tpu.memory_space<hbm>>, %arg7: memref<4x128xi32, #tpu.memory_space<vmem>>, %arg8: memref<4x128xi32, #tpu.memory_space<vmem>>, %arg9: memref<512x32xf32, #tpu.memory_space<vmem>>, %arg10: memref<512x32xf32, #tpu.memory_space<vmem>>, %arg11: memref<512xf32, #tpu.memory_space<vmem>>, %arg12: memref<!tpu.dma_semaphore, #tpu.memory_space<semaphore_mem>>) attributes {dimension_semantics = [#tpu.dimension_semantics<core_parallel>, #tpu.dimension_semantics<subcore_parallel>], iteration_bounds = array<i64: 2, 16>, scalar_prefetch = 0 : i64, scratch_operands = 6 : i64, tpu.core_type = #tpu.core_type<sc_vector_subcore>, window_params = [{transform_indices = #map}, {transform_indices = #map}, {transform_indices = #map}, {transform_indices = #map}, {transform_indices = #map1}]} {
    %mul3A = arith.constant 2 : i32
    %mul3A_0 = arith.muli %arg1, %mul3A : i32
    %add3A = arith.addi %mul3A_0, %arg0 : i32
    %mul3A_1 = arith.constant 4 : i32
    %mul3A_2 = arith.muli %add3A, %mul3A_1 : i32
    "tpu.region"() ({
      %run_scoped3A = tpu.sem_alloc : memref<!tpu.dma_semaphore, #tpu.memory_space<semaphore_mem>>
      %dma_start3A_170 = arith.constant 0 : i32
      %dma_start3A_171 = tpu.memref_slice %arg2[%mul3A_2, %dma_start3A_170] : memref<128x128xi32, #tpu.memory_space<hbm>> -> memref<4x128xi32, #tpu.memory_space<hbm>>
      %dma_start3A_172 = arith.constant 0 : i32
      %dma_start3A_173 = tpu.memref_slice %arg2[%mul3A_2, %dma_start3A_172] : memref<128x128xi32, #tpu.memory_space<hbm>> -> memref<4x128xi32, #tpu.memory_space<hbm>>
      tpu.enqueue_dma source(%dma_start3A_173 : memref<4x128xi32, #tpu.memory_space<hbm>>) target(%arg7 : memref<4x128xi32, #tpu.memory_space<vmem>>) target_semaphore(%run_scoped3A : memref<!tpu.dma_semaphore, #tpu.memory_space<semaphore_mem>>)
      %dma_wait3A_174 = arith.constant 0 : i32
      %dma_wait3A_175 = tpu.memref_slice %arg2[%mul3A_2, %dma_wait3A_174] : memref<128x128xi32, #tpu.memory_space<hbm>> -> memref<4x128xi32, #tpu.memory_space<hbm>>
      %dma_wait3A_176 = arith.constant 0 : i32
      %dma_wait3A_177 = tpu.memref_slice %arg2[%mul3A_2, %dma_wait3A_176] : memref<128x128xi32, #tpu.memory_space<hbm>> -> memref<4x128xi32, #tpu.memory_space<hbm>>
      tpu.wait_dma2 semaphore(%run_scoped3A : memref<!tpu.dma_semaphore, #tpu.memory_space<semaphore_mem>>) src(%dma_wait3A_177 : memref<4x128xi32, #tpu.memory_space<hbm>>) dst(%arg7 : memref<4x128xi32, #tpu.memory_space<vmem>>)
      tpu.yield
    }) : () -> ()
    %mul3A_3 = arith.constant 4 : i32
    %mul3A_4 = arith.muli %add3A, %mul3A_3 : i32
    "tpu.region"() ({
      %run_scoped3A = tpu.sem_alloc : memref<!tpu.dma_semaphore, #tpu.memory_space<semaphore_mem>>
      %dma_start3A_170 = arith.constant 0 : i32
      %dma_start3A_171 = tpu.memref_slice %arg3[%mul3A_4, %dma_start3A_170] : memref<128x128xi32, #tpu.memory_space<hbm>> -> memref<4x128xi32, #tpu.memory_space<hbm>>
      %dma_start3A_172 = arith.constant 0 : i32
      %dma_start3A_173 = tpu.memref_slice %arg3[%mul3A_4, %dma_start3A_172] : memref<128x128xi32, #tpu.memory_space<hbm>> -> memref<4x128xi32, #tpu.memory_space<hbm>>
      tpu.enqueue_dma source(%dma_start3A_173 : memref<4x128xi32, #tpu.memory_space<hbm>>) target(%arg8 : memref<4x128xi32, #tpu.memory_space<vmem>>) target_semaphore(%run_scoped3A : memref<!tpu.dma_semaphore, #tpu.memory_space<semaphore_mem>>)
      %dma_wait3A_174 = arith.constant 0 : i32
      %dma_wait3A_175 = tpu.memref_slice %arg3[%mul3A_4, %dma_wait3A_174] : memref<128x128xi32, #tpu.memory_space<hbm>> -> memref<4x128xi32, #tpu.memory_space<hbm>>
      %dma_wait3A_176 = arith.constant 0 : i32
      %dma_wait3A_177 = tpu.memref_slice %arg3[%mul3A_4, %dma_wait3A_176] : memref<128x128xi32, #tpu.memory_space<hbm>> -> memref<4x128xi32, #tpu.memory_space<hbm>>
      tpu.wait_dma2 semaphore(%run_scoped3A : memref<!tpu.dma_semaphore, #tpu.memory_space<semaphore_mem>>) src(%dma_wait3A_177 : memref<4x128xi32, #tpu.memory_space<hbm>>) dst(%arg8 : memref<4x128xi32, #tpu.memory_space<vmem>>)
      tpu.yield
    }) : () -> ()
    %dma_start3A = arith.constant 0 : i32
    %dma_start3A_5 = arith.constant 0 : i32
    %dma_start3A_6 = arith.constant 0 : i32
    %dma_start3A_7 = tpu.memref_slice %arg9[%dma_start3A_5, %dma_start3A_6] : memref<512x32xf32, #tpu.memory_space<vmem>> -> memref<128x32xf32, #tpu.memory_space<vmem>>
    %dma_start3A_8 = arith.constant 0 : i32
    %dma_start3A_9 = tpu.memref_slice %arg7[%dma_start3A, %dma_start3A_8] : memref<4x128xi32, #tpu.memory_space<vmem>> -> memref<1x128xi32, #tpu.memory_space<vmem>>
    %dma_start3A_10 = tpu.memref_squeeze %dma_start3A_9 : memref<1x128xi32, #tpu.memory_space<vmem>> -> memref<128xi32, #tpu.memory_space<vmem>>
    %dma_start3A_11 = arith.constant 0 : i32
    %dma_start3A_12 = arith.constant 0 : i32
    %dma_start3A_13 = tpu.memref_slice %arg4[%dma_start3A_11, %dma_start3A_12] : memref<1000000x32xf32, #tpu.memory_space<hbm>> -> memref<1000000x32xf32, #tpu.memory_space<hbm>>
    tpu.enqueue_indirect_dma source(%dma_start3A_13 : memref<1000000x32xf32, #tpu.memory_space<hbm>>) target(%dma_start3A_7 : memref<128x32xf32, #tpu.memory_space<vmem>>) offsets(%dma_start3A_10 : memref<128xi32, #tpu.memory_space<vmem>>) semaphore(%arg12 : memref<!tpu.dma_semaphore, #tpu.memory_space<semaphore_mem>>)
    %dma_start3A_14 = arith.constant 0 : i32
    %dma_start3A_15 = arith.constant 0 : i32
    %dma_start3A_16 = arith.constant 0 : i32
    %dma_start3A_17 = tpu.memref_slice %arg10[%dma_start3A_15, %dma_start3A_16] : memref<512x32xf32, #tpu.memory_space<vmem>> -> memref<128x32xf32, #tpu.memory_space<vmem>>
    %dma_start3A_18 = arith.constant 0 : i32
    %dma_start3A_19 = tpu.memref_slice %arg8[%dma_start3A_14, %dma_start3A_18] : memref<4x128xi32, #tpu.memory_space<vmem>> -> memref<1x128xi32, #tpu.memory_space<vmem>>
    %dma_start3A_20 = tpu.memref_squeeze %dma_start3A_19 : memref<1x128xi32, #tpu.memory_space<vmem>> -> memref<128xi32, #tpu.memory_space<vmem>>
    %dma_start3A_21 = arith.constant 0 : i32
    %dma_start3A_22 = arith.constant 0 : i32
    %dma_start3A_23 = tpu.memref_slice %arg5[%dma_start3A_21, %dma_start3A_22] : memref<1000000x32xf32, #tpu.memory_space<hbm>> -> memref<1000000x32xf32, #tpu.memory_space<hbm>>
    tpu.enqueue_indirect_dma source(%dma_start3A_23 : memref<1000000x32xf32, #tpu.memory_space<hbm>>) target(%dma_start3A_17 : memref<128x32xf32, #tpu.memory_space<vmem>>) offsets(%dma_start3A_20 : memref<128xi32, #tpu.memory_space<vmem>>) semaphore(%arg12 : memref<!tpu.dma_semaphore, #tpu.memory_space<semaphore_mem>>)
    %dma_start3A_24 = arith.constant 1 : i32
    %dma_start3A_25 = arith.constant 128 : i32
    %dma_start3A_26 = arith.constant 0 : i32
    %dma_start3A_27 = tpu.memref_slice %arg9[%dma_start3A_25, %dma_start3A_26] : memref<512x32xf32, #tpu.memory_space<vmem>> -> memref<128x32xf32, #tpu.memory_space<vmem>>
    %dma_start3A_28 = arith.constant 0 : i32
    %dma_start3A_29 = tpu.memref_slice %arg7[%dma_start3A_24, %dma_start3A_28] : memref<4x128xi32, #tpu.memory_space<vmem>> -> memref<1x128xi32, #tpu.memory_space<vmem>>
    %dma_start3A_30 = tpu.memref_squeeze %dma_start3A_29 : memref<1x128xi32, #tpu.memory_space<vmem>> -> memref<128xi32, #tpu.memory_space<vmem>>
    %dma_start3A_31 = arith.constant 0 : i32
    %dma_start3A_32 = arith.constant 0 : i32
    %dma_start3A_33 = tpu.memref_slice %arg4[%dma_start3A_31, %dma_start3A_32] : memref<1000000x32xf32, #tpu.memory_space<hbm>> -> memref<1000000x32xf32, #tpu.memory_space<hbm>>
    tpu.enqueue_indirect_dma source(%dma_start3A_33 : memref<1000000x32xf32, #tpu.memory_space<hbm>>) target(%dma_start3A_27 : memref<128x32xf32, #tpu.memory_space<vmem>>) offsets(%dma_start3A_30 : memref<128xi32, #tpu.memory_space<vmem>>) semaphore(%arg12 : memref<!tpu.dma_semaphore, #tpu.memory_space<semaphore_mem>>)
    %dma_start3A_34 = arith.constant 1 : i32
    %dma_start3A_35 = arith.constant 128 : i32
    %dma_start3A_36 = arith.constant 0 : i32
    %dma_start3A_37 = tpu.memref_slice %arg10[%dma_start3A_35, %dma_start3A_36] : memref<512x32xf32, #tpu.memory_space<vmem>> -> memref<128x32xf32, #tpu.memory_space<vmem>>
    %dma_start3A_38 = arith.constant 0 : i32
    %dma_start3A_39 = tpu.memref_slice %arg8[%dma_start3A_34, %dma_start3A_38] : memref<4x128xi32, #tpu.memory_space<vmem>> -> memref<1x128xi32, #tpu.memory_space<vmem>>
    %dma_start3A_40 = tpu.memref_squeeze %dma_start3A_39 : memref<1x128xi32, #tpu.memory_space<vmem>> -> memref<128xi32, #tpu.memory_space<vmem>>
    %dma_start3A_41 = arith.constant 0 : i32
    %dma_start3A_42 = arith.constant 0 : i32
    %dma_start3A_43 = tpu.memref_slice %arg5[%dma_start3A_41, %dma_start3A_42] : memref<1000000x32xf32, #tpu.memory_space<hbm>> -> memref<1000000x32xf32, #tpu.memory_space<hbm>>
    tpu.enqueue_indirect_dma source(%dma_start3A_43 : memref<1000000x32xf32, #tpu.memory_space<hbm>>) target(%dma_start3A_37 : memref<128x32xf32, #tpu.memory_space<vmem>>) offsets(%dma_start3A_40 : memref<128xi32, #tpu.memory_space<vmem>>) semaphore(%arg12 : memref<!tpu.dma_semaphore, #tpu.memory_space<semaphore_mem>>)
    %dma_start3A_44 = arith.constant 2 : i32
    %dma_start3A_45 = arith.constant 256 : i32
    %dma_start3A_46 = arith.constant 0 : i32
    %dma_start3A_47 = tpu.memref_slice %arg9[%dma_start3A_45, %dma_start3A_46] : memref<512x32xf32, #tpu.memory_space<vmem>> -> memref<128x32xf32, #tpu.memory_space<vmem>>
    %dma_start3A_48 = arith.constant 0 : i32
    %dma_start3A_49 = tpu.memref_slice %arg7[%dma_start3A_44, %dma_start3A_48] : memref<4x128xi32, #tpu.memory_space<vmem>> -> memref<1x128xi32, #tpu.memory_space<vmem>>
    %dma_start3A_50 = tpu.memref_squeeze %dma_start3A_49 : memref<1x128xi32, #tpu.memory_space<vmem>> -> memref<128xi32, #tpu.memory_space<vmem>>
    %dma_start3A_51 = arith.constant 0 : i32
    %dma_start3A_52 = arith.constant 0 : i32
    %dma_start3A_53 = tpu.memref_slice %arg4[%dma_start3A_51, %dma_start3A_52] : memref<1000000x32xf32, #tpu.memory_space<hbm>> -> memref<1000000x32xf32, #tpu.memory_space<hbm>>
    tpu.enqueue_indirect_dma source(%dma_start3A_53 : memref<1000000x32xf32, #tpu.memory_space<hbm>>) target(%dma_start3A_47 : memref<128x32xf32, #tpu.memory_space<vmem>>) offsets(%dma_start3A_50 : memref<128xi32, #tpu.memory_space<vmem>>) semaphore(%arg12 : memref<!tpu.dma_semaphore, #tpu.memory_space<semaphore_mem>>)
    %dma_start3A_54 = arith.constant 2 : i32
    %dma_start3A_55 = arith.constant 256 : i32
    %dma_start3A_56 = arith.constant 0 : i32
    %dma_start3A_57 = tpu.memref_slice %arg10[%dma_start3A_55, %dma_start3A_56] : memref<512x32xf32, #tpu.memory_space<vmem>> -> memref<128x32xf32, #tpu.memory_space<vmem>>
    %dma_start3A_58 = arith.constant 0 : i32
    %dma_start3A_59 = tpu.memref_slice %arg8[%dma_start3A_54, %dma_start3A_58] : memref<4x128xi32, #tpu.memory_space<vmem>> -> memref<1x128xi32, #tpu.memory_space<vmem>>
    %dma_start3A_60 = tpu.memref_squeeze %dma_start3A_59 : memref<1x128xi32, #tpu.memory_space<vmem>> -> memref<128xi32, #tpu.memory_space<vmem>>
    %dma_start3A_61 = arith.constant 0 : i32
    %dma_start3A_62 = arith.constant 0 : i32
    %dma_start3A_63 = tpu.memref_slice %arg5[%dma_start3A_61, %dma_start3A_62] : memref<1000000x32xf32, #tpu.memory_space<hbm>> -> memref<1000000x32xf32, #tpu.memory_space<hbm>>
    tpu.enqueue_indirect_dma source(%dma_start3A_63 : memref<1000000x32xf32, #tpu.memory_space<hbm>>) target(%dma_start3A_57 : memref<128x32xf32, #tpu.memory_space<vmem>>) offsets(%dma_start3A_60 : memref<128xi32, #tpu.memory_space<vmem>>) semaphore(%arg12 : memref<!tpu.dma_semaphore, #tpu.memory_space<semaphore_mem>>)
    %dma_start3A_64 = arith.constant 3 : i32
    %dma_start3A_65 = arith.constant 384 : i32
    %dma_start3A_66 = arith.constant 0 : i32
    %dma_start3A_67 = tpu.memref_slice %arg9[%dma_start3A_65, %dma_start3A_66] : memref<512x32xf32, #tpu.memory_space<vmem>> -> memref<128x32xf32, #tpu.memory_space<vmem>>
    %dma_start3A_68 = arith.constant 0 : i32
    %dma_start3A_69 = tpu.memref_slice %arg7[%dma_start3A_64, %dma_start3A_68] : memref<4x128xi32, #tpu.memory_space<vmem>> -> memref<1x128xi32, #tpu.memory_space<vmem>>
    %dma_start3A_70 = tpu.memref_squeeze %dma_start3A_69 : memref<1x128xi32, #tpu.memory_space<vmem>> -> memref<128xi32, #tpu.memory_space<vmem>>
    %dma_start3A_71 = arith.constant 0 : i32
    %dma_start3A_72 = arith.constant 0 : i32
    %dma_start3A_73 = tpu.memref_slice %arg4[%dma_start3A_71, %dma_start3A_72] : memref<1000000x32xf32, #tpu.memory_space<hbm>> -> memref<1000000x32xf32, #tpu.memory_space<hbm>>
    tpu.enqueue_indirect_dma source(%dma_start3A_73 : memref<1000000x32xf32, #tpu.memory_space<hbm>>) target(%dma_start3A_67 : memref<128x32xf32, #tpu.memory_space<vmem>>) offsets(%dma_start3A_70 : memref<128xi32, #tpu.memory_space<vmem>>) semaphore(%arg12 : memref<!tpu.dma_semaphore, #tpu.memory_space<semaphore_mem>>)
    %dma_start3A_74 = arith.constant 3 : i32
    %dma_start3A_75 = arith.constant 384 : i32
    %dma_start3A_76 = arith.constant 0 : i32
    %dma_start3A_77 = tpu.memref_slice %arg10[%dma_start3A_75, %dma_start3A_76] : memref<512x32xf32, #tpu.memory_space<vmem>> -> memref<128x32xf32, #tpu.memory_space<vmem>>
    %dma_start3A_78 = arith.constant 0 : i32
    %dma_start3A_79 = tpu.memref_slice %arg8[%dma_start3A_74, %dma_start3A_78] : memref<4x128xi32, #tpu.memory_space<vmem>> -> memref<1x128xi32, #tpu.memory_space<vmem>>
    %dma_start3A_80 = tpu.memref_squeeze %dma_start3A_79 : memref<1x128xi32, #tpu.memory_space<vmem>> -> memref<128xi32, #tpu.memory_space<vmem>>
    %dma_start3A_81 = arith.constant 0 : i32
    %dma_start3A_82 = arith.constant 0 : i32
    %dma_start3A_83 = tpu.memref_slice %arg5[%dma_start3A_81, %dma_start3A_82] : memref<1000000x32xf32, #tpu.memory_space<hbm>> -> memref<1000000x32xf32, #tpu.memory_space<hbm>>
    tpu.enqueue_indirect_dma source(%dma_start3A_83 : memref<1000000x32xf32, #tpu.memory_space<hbm>>) target(%dma_start3A_77 : memref<128x32xf32, #tpu.memory_space<vmem>>) offsets(%dma_start3A_80 : memref<128xi32, #tpu.memory_space<vmem>>) semaphore(%arg12 : memref<!tpu.dma_semaphore, #tpu.memory_space<semaphore_mem>>)
    %dma_wait3A = arith.constant 0 : i32
    %dma_wait3A_84 = arith.constant 0 : i32
    %dma_wait3A_85 = arith.constant 0 : i32
    %dma_wait3A_86 = tpu.memref_slice %arg9[%dma_wait3A_84, %dma_wait3A_85] : memref<512x32xf32, #tpu.memory_space<vmem>> -> memref<128x32xf32, #tpu.memory_space<vmem>>
    %dma_wait3A_87 = arith.constant 0 : i32
    %dma_wait3A_88 = tpu.memref_slice %arg7[%dma_wait3A, %dma_wait3A_87] : memref<4x128xi32, #tpu.memory_space<vmem>> -> memref<1x128xi32, #tpu.memory_space<vmem>>
    %dma_wait3A_89 = tpu.memref_squeeze %dma_wait3A_88 : memref<1x128xi32, #tpu.memory_space<vmem>> -> memref<128xi32, #tpu.memory_space<vmem>>
    %dma_wait3A_90 = arith.constant 0 : i32
    %dma_wait3A_91 = arith.constant 0 : i32
    %dma_wait3A_92 = tpu.memref_slice %arg4[%dma_wait3A_90, %dma_wait3A_91] : memref<1000000x32xf32, #tpu.memory_space<hbm>> -> memref<1000000x32xf32, #tpu.memory_space<hbm>>
    tpu.wait_indirect_dma semaphore(%arg12 : memref<!tpu.dma_semaphore, #tpu.memory_space<semaphore_mem>>) src(%dma_wait3A_92 : memref<1000000x32xf32, #tpu.memory_space<hbm>>) dst(%dma_wait3A_86 : memref<128x32xf32, #tpu.memory_space<vmem>>)
    %dma_wait3A_93 = arith.constant 0 : i32
    %dma_wait3A_94 = arith.constant 0 : i32
    %dma_wait3A_95 = arith.constant 0 : i32
    %dma_wait3A_96 = tpu.memref_slice %arg10[%dma_wait3A_94, %dma_wait3A_95] : memref<512x32xf32, #tpu.memory_space<vmem>> -> memref<128x32xf32, #tpu.memory_space<vmem>>
    %dma_wait3A_97 = arith.constant 0 : i32
    %dma_wait3A_98 = tpu.memref_slice %arg8[%dma_wait3A_93, %dma_wait3A_97] : memref<4x128xi32, #tpu.memory_space<vmem>> -> memref<1x128xi32, #tpu.memory_space<vmem>>
    %dma_wait3A_99 = tpu.memref_squeeze %dma_wait3A_98 : memref<1x128xi32, #tpu.memory_space<vmem>> -> memref<128xi32, #tpu.memory_space<vmem>>
    %dma_wait3A_100 = arith.constant 0 : i32
    %dma_wait3A_101 = arith.constant 0 : i32
    %dma_wait3A_102 = tpu.memref_slice %arg5[%dma_wait3A_100, %dma_wait3A_101] : memref<1000000x32xf32, #tpu.memory_space<hbm>> -> memref<1000000x32xf32, #tpu.memory_space<hbm>>
    tpu.wait_indirect_dma semaphore(%arg12 : memref<!tpu.dma_semaphore, #tpu.memory_space<semaphore_mem>>) src(%dma_wait3A_102 : memref<1000000x32xf32, #tpu.memory_space<hbm>>) dst(%dma_wait3A_96 : memref<128x32xf32, #tpu.memory_space<vmem>>)
    %dma_wait3A_103 = arith.constant 1 : i32
    %dma_wait3A_104 = arith.constant 128 : i32
    %dma_wait3A_105 = arith.constant 0 : i32
    %dma_wait3A_106 = tpu.memref_slice %arg9[%dma_wait3A_104, %dma_wait3A_105] : memref<512x32xf32, #tpu.memory_space<vmem>> -> memref<128x32xf32, #tpu.memory_space<vmem>>
    %dma_wait3A_107 = arith.constant 0 : i32
    %dma_wait3A_108 = tpu.memref_slice %arg7[%dma_wait3A_103, %dma_wait3A_107] : memref<4x128xi32, #tpu.memory_space<vmem>> -> memref<1x128xi32, #tpu.memory_space<vmem>>
    %dma_wait3A_109 = tpu.memref_squeeze %dma_wait3A_108 : memref<1x128xi32, #tpu.memory_space<vmem>> -> memref<128xi32, #tpu.memory_space<vmem>>
    %dma_wait3A_110 = arith.constant 0 : i32
    %dma_wait3A_111 = arith.constant 0 : i32
    %dma_wait3A_112 = tpu.memref_slice %arg4[%dma_wait3A_110, %dma_wait3A_111] : memref<1000000x32xf32, #tpu.memory_space<hbm>> -> memref<1000000x32xf32, #tpu.memory_space<hbm>>
    tpu.wait_indirect_dma semaphore(%arg12 : memref<!tpu.dma_semaphore, #tpu.memory_space<semaphore_mem>>) src(%dma_wait3A_112 : memref<1000000x32xf32, #tpu.memory_space<hbm>>) dst(%dma_wait3A_106 : memref<128x32xf32, #tpu.memory_space<vmem>>)
    %dma_wait3A_113 = arith.constant 1 : i32
    %dma_wait3A_114 = arith.constant 128 : i32
    %dma_wait3A_115 = arith.constant 0 : i32
    %dma_wait3A_116 = tpu.memref_slice %arg10[%dma_wait3A_114, %dma_wait3A_115] : memref<512x32xf32, #tpu.memory_space<vmem>> -> memref<128x32xf32, #tpu.memory_space<vmem>>
    %dma_wait3A_117 = arith.constant 0 : i32
    %dma_wait3A_118 = tpu.memref_slice %arg8[%dma_wait3A_113, %dma_wait3A_117] : memref<4x128xi32, #tpu.memory_space<vmem>> -> memref<1x128xi32, #tpu.memory_space<vmem>>
    %dma_wait3A_119 = tpu.memref_squeeze %dma_wait3A_118 : memref<1x128xi32, #tpu.memory_space<vmem>> -> memref<128xi32, #tpu.memory_space<vmem>>
    %dma_wait3A_120 = arith.constant 0 : i32
    %dma_wait3A_121 = arith.constant 0 : i32
    %dma_wait3A_122 = tpu.memref_slice %arg5[%dma_wait3A_120, %dma_wait3A_121] : memref<1000000x32xf32, #tpu.memory_space<hbm>> -> memref<1000000x32xf32, #tpu.memory_space<hbm>>
    tpu.wait_indirect_dma semaphore(%arg12 : memref<!tpu.dma_semaphore, #tpu.memory_space<semaphore_mem>>) src(%dma_wait3A_122 : memref<1000000x32xf32, #tpu.memory_space<hbm>>) dst(%dma_wait3A_116 : memref<128x32xf32, #tpu.memory_space<vmem>>)
    %dma_wait3A_123 = arith.constant 2 : i32
    %dma_wait3A_124 = arith.constant 256 : i32
    %dma_wait3A_125 = arith.constant 0 : i32
    %dma_wait3A_126 = tpu.memref_slice %arg9[%dma_wait3A_124, %dma_wait3A_125] : memref<512x32xf32, #tpu.memory_space<vmem>> -> memref<128x32xf32, #tpu.memory_space<vmem>>
    %dma_wait3A_127 = arith.constant 0 : i32
    %dma_wait3A_128 = tpu.memref_slice %arg7[%dma_wait3A_123, %dma_wait3A_127] : memref<4x128xi32, #tpu.memory_space<vmem>> -> memref<1x128xi32, #tpu.memory_space<vmem>>
    %dma_wait3A_129 = tpu.memref_squeeze %dma_wait3A_128 : memref<1x128xi32, #tpu.memory_space<vmem>> -> memref<128xi32, #tpu.memory_space<vmem>>
    %dma_wait3A_130 = arith.constant 0 : i32
    %dma_wait3A_131 = arith.constant 0 : i32
    %dma_wait3A_132 = tpu.memref_slice %arg4[%dma_wait3A_130, %dma_wait3A_131] : memref<1000000x32xf32, #tpu.memory_space<hbm>> -> memref<1000000x32xf32, #tpu.memory_space<hbm>>
    tpu.wait_indirect_dma semaphore(%arg12 : memref<!tpu.dma_semaphore, #tpu.memory_space<semaphore_mem>>) src(%dma_wait3A_132 : memref<1000000x32xf32, #tpu.memory_space<hbm>>) dst(%dma_wait3A_126 : memref<128x32xf32, #tpu.memory_space<vmem>>)
    %dma_wait3A_133 = arith.constant 2 : i32
    %dma_wait3A_134 = arith.constant 256 : i32
    %dma_wait3A_135 = arith.constant 0 : i32
    %dma_wait3A_136 = tpu.memref_slice %arg10[%dma_wait3A_134, %dma_wait3A_135] : memref<512x32xf32, #tpu.memory_space<vmem>> -> memref<128x32xf32, #tpu.memory_space<vmem>>
    %dma_wait3A_137 = arith.constant 0 : i32
    %dma_wait3A_138 = tpu.memref_slice %arg8[%dma_wait3A_133, %dma_wait3A_137] : memref<4x128xi32, #tpu.memory_space<vmem>> -> memref<1x128xi32, #tpu.memory_space<vmem>>
    %dma_wait3A_139 = tpu.memref_squeeze %dma_wait3A_138 : memref<1x128xi32, #tpu.memory_space<vmem>> -> memref<128xi32, #tpu.memory_space<vmem>>
    %dma_wait3A_140 = arith.constant 0 : i32
    %dma_wait3A_141 = arith.constant 0 : i32
    %dma_wait3A_142 = tpu.memref_slice %arg5[%dma_wait3A_140, %dma_wait3A_141] : memref<1000000x32xf32, #tpu.memory_space<hbm>> -> memref<1000000x32xf32, #tpu.memory_space<hbm>>
    tpu.wait_indirect_dma semaphore(%arg12 : memref<!tpu.dma_semaphore, #tpu.memory_space<semaphore_mem>>) src(%dma_wait3A_142 : memref<1000000x32xf32, #tpu.memory_space<hbm>>) dst(%dma_wait3A_136 : memref<128x32xf32, #tpu.memory_space<vmem>>)
    %dma_wait3A_143 = arith.constant 3 : i32
    %dma_wait3A_144 = arith.constant 384 : i32
    %dma_wait3A_145 = arith.constant 0 : i32
    %dma_wait3A_146 = tpu.memref_slice %arg9[%dma_wait3A_144, %dma_wait3A_145] : memref<512x32xf32, #tpu.memory_space<vmem>> -> memref<128x32xf32, #tpu.memory_space<vmem>>
    %dma_wait3A_147 = arith.constant 0 : i32
    %dma_wait3A_148 = tpu.memref_slice %arg7[%dma_wait3A_143, %dma_wait3A_147] : memref<4x128xi32, #tpu.memory_space<vmem>> -> memref<1x128xi32, #tpu.memory_space<vmem>>
    %dma_wait3A_149 = tpu.memref_squeeze %dma_wait3A_148 : memref<1x128xi32, #tpu.memory_space<vmem>> -> memref<128xi32, #tpu.memory_space<vmem>>
    %dma_wait3A_150 = arith.constant 0 : i32
    %dma_wait3A_151 = arith.constant 0 : i32
    %dma_wait3A_152 = tpu.memref_slice %arg4[%dma_wait3A_150, %dma_wait3A_151] : memref<1000000x32xf32, #tpu.memory_space<hbm>> -> memref<1000000x32xf32, #tpu.memory_space<hbm>>
    tpu.wait_indirect_dma semaphore(%arg12 : memref<!tpu.dma_semaphore, #tpu.memory_space<semaphore_mem>>) src(%dma_wait3A_152 : memref<1000000x32xf32, #tpu.memory_space<hbm>>) dst(%dma_wait3A_146 : memref<128x32xf32, #tpu.memory_space<vmem>>)
    %dma_wait3A_153 = arith.constant 3 : i32
    %dma_wait3A_154 = arith.constant 384 : i32
    %dma_wait3A_155 = arith.constant 0 : i32
    %dma_wait3A_156 = tpu.memref_slice %arg10[%dma_wait3A_154, %dma_wait3A_155] : memref<512x32xf32, #tpu.memory_space<vmem>> -> memref<128x32xf32, #tpu.memory_space<vmem>>
    %dma_wait3A_157 = arith.constant 0 : i32
    %dma_wait3A_158 = tpu.memref_slice %arg8[%dma_wait3A_153, %dma_wait3A_157] : memref<4x128xi32, #tpu.memory_space<vmem>> -> memref<1x128xi32, #tpu.memory_space<vmem>>
    %dma_wait3A_159 = tpu.memref_squeeze %dma_wait3A_158 : memref<1x128xi32, #tpu.memory_space<vmem>> -> memref<128xi32, #tpu.memory_space<vmem>>
    %dma_wait3A_160 = arith.constant 0 : i32
    %dma_wait3A_161 = arith.constant 0 : i32
    %dma_wait3A_162 = tpu.memref_slice %arg5[%dma_wait3A_160, %dma_wait3A_161] : memref<1000000x32xf32, #tpu.memory_space<hbm>> -> memref<1000000x32xf32, #tpu.memory_space<hbm>>
    tpu.wait_indirect_dma semaphore(%arg12 : memref<!tpu.dma_semaphore, #tpu.memory_space<semaphore_mem>>) src(%dma_wait3A_162 : memref<1000000x32xf32, #tpu.memory_space<hbm>>) dst(%dma_wait3A_156 : memref<128x32xf32, #tpu.memory_space<vmem>>)
    %iota3A = tpu.iota {dimensions = array<i32: 0>} : vector<16xi32>
    %scan3A = arith.constant 0 : i32
    %scan3A_163 = arith.constant 0 : i32
    %scan3A_164 = arith.constant 32 : i32
    %scan3A_165 = arith.addi %scan3A_163, %scan3A_164 : i32
    %scan3A_166 = arith.constant 1 : i32
    scf.for %scan3A_170 = %scan3A_163 to %scan3A_165 step %scan3A_166  : i32 {
      %mul3A_171 = arith.constant 16 : i32
      %mul3A_172 = arith.muli %scan3A_170, %mul3A_171 : i32
      %add3A_173 = vector.broadcast %mul3A_172 : i32 to vector<16xi32>
      %add3A_174 = arith.addi %add3A_173, %iota3A : vector<16xi32>
      %broadcast_in_dim3A = arith.constant 0.000000e+00 : f32
      %broadcast_in_dim3A_175 = vector.broadcast %broadcast_in_dim3A : f32 to vector<16xf32>
      %add3A_176 = arith.constant 0 : i32
      %add3A_177 = vector.broadcast %add3A_176 : i32 to vector<16xi32>
      %add3A_178 = arith.addi %iota3A, %add3A_177 : vector<16xi32>
      %and3A = arith.constant 31 : i32
      %and3A_179 = vector.broadcast %and3A : i32 to vector<16xi32>
      %and3A_180 = arith.andi %add3A_178, %and3A_179 : vector<16xi32>
      %gather3A = tpu.vector_load_idx %arg9[%add3A_174, %and3A_180] : memref<512x32xf32, #tpu.memory_space<vmem>>[vector<16xi32>, vector<16xi32>], vector<16xf32>,
      %gather3A_181 = tpu.vector_load_idx %arg10[%add3A_174, %and3A_180] : memref<512x32xf32, #tpu.memory_space<vmem>>[vector<16xi32>, vector<16xi32>], vector<16xf32>,
      %mul3A_182 = arith.mulf %gather3A, %gather3A_181 : vector<16xf32>
      %add3A_183 = arith.addf %broadcast_in_dim3A_175, %mul3A_182 : vector<16xf32>
      %add3A_184 = arith.constant 1 : i32
      %add3A_185 = vector.broadcast %add3A_184 : i32 to vector<16xi32>
      %add3A_186 = arith.addi %iota3A, %add3A_185 : vector<16xi32>
      %and3A_187 = arith.constant 31 : i32
      %and3A_188 = vector.broadcast %and3A_187 : i32 to vector<16xi32>
      %and3A_189 = arith.andi %add3A_186, %and3A_188 : vector<16xi32>
      %gather3A_190 = tpu.vector_load_idx %arg9[%add3A_174, %and3A_189] : memref<512x32xf32, #tpu.memory_space<vmem>>[vector<16xi32>, vector<16xi32>], vector<16xf32>,
      %gather3A_191 = tpu.vector_load_idx %arg10[%add3A_174, %and3A_189] : memref<512x32xf32, #tpu.memory_space<vmem>>[vector<16xi32>, vector<16xi32>], vector<16xf32>,
      %mul3A_192 = arith.mulf %gather3A_190, %gather3A_191 : vector<16xf32>
      %add3A_193 = arith.addf %add3A_183, %mul3A_192 : vector<16xf32>
      %add3A_194 = arith.constant 2 : i32
      %add3A_195 = vector.broadcast %add3A_194 : i32 to vector<16xi32>
      %add3A_196 = arith.addi %iota3A, %add3A_195 : vector<16xi32>
      %and3A_197 = arith.constant 31 : i32
      %and3A_198 = vector.broadcast %and3A_197 : i32 to vector<16xi32>
      %and3A_199 = arith.andi %add3A_196, %and3A_198 : vector<16xi32>
      %gather3A_200 = tpu.vector_load_idx %arg9[%add3A_174, %and3A_199] : memref<512x32xf32, #tpu.memory_space<vmem>>[vector<16xi32>, vector<16xi32>], vector<16xf32>,
      %gather3A_201 = tpu.vector_load_idx %arg10[%add3A_174, %and3A_199] : memref<512x32xf32, #tpu.memory_space<vmem>>[vector<16xi32>, vector<16xi32>], vector<16xf32>,
      %mul3A_202 = arith.mulf %gather3A_200, %gather3A_201 : vector<16xf32>
      %add3A_203 = arith.addf %add3A_193, %mul3A_202 : vector<16xf32>
      %add3A_204 = arith.constant 3 : i32
      %add3A_205 = vector.broadcast %add3A_204 : i32 to vector<16xi32>
      %add3A_206 = arith.addi %iota3A, %add3A_205 : vector<16xi32>
      %and3A_207 = arith.constant 31 : i32
      %and3A_208 = vector.broadcast %and3A_207 : i32 to vector<16xi32>
      %and3A_209 = arith.andi %add3A_206, %and3A_208 : vector<16xi32>
      %gather3A_210 = tpu.vector_load_idx %arg9[%add3A_174, %and3A_209] : memref<512x32xf32, #tpu.memory_space<vmem>>[vector<16xi32>, vector<16xi32>], vector<16xf32>,
      %gather3A_211 = tpu.vector_load_idx %arg10[%add3A_174, %and3A_209] : memref<512x32xf32, #tpu.memory_space<vmem>>[vector<16xi32>, vector<16xi32>], vector<16xf32>,
      %mul3A_212 = arith.mulf %gather3A_210, %gather3A_211 : vector<16xf32>
      %add3A_213 = arith.addf %add3A_203, %mul3A_212 : vector<16xf32>
      %add3A_214 = arith.constant 4 : i32
      %add3A_215 = vector.broadcast %add3A_214 : i32 to vector<16xi32>
      %add3A_216 = arith.addi %iota3A, %add3A_215 : vector<16xi32>
      %and3A_217 = arith.constant 31 : i32
      %and3A_218 = vector.broadcast %and3A_217 : i32 to vector<16xi32>
      %and3A_219 = arith.andi %add3A_216, %and3A_218 : vector<16xi32>
      %gather3A_220 = tpu.vector_load_idx %arg9[%add3A_174, %and3A_219] : memref<512x32xf32, #tpu.memory_space<vmem>>[vector<16xi32>, vector<16xi32>], vector<16xf32>,
      %gather3A_221 = tpu.vector_load_idx %arg10[%add3A_174, %and3A_219] : memref<512x32xf32, #tpu.memory_space<vmem>>[vector<16xi32>, vector<16xi32>], vector<16xf32>,
      %mul3A_222 = arith.mulf %gather3A_220, %gather3A_221 : vector<16xf32>
      %add3A_223 = arith.addf %add3A_213, %mul3A_222 : vector<16xf32>
      %add3A_224 = arith.constant 5 : i32
      %add3A_225 = vector.broadcast %add3A_224 : i32 to vector<16xi32>
      %add3A_226 = arith.addi %iota3A, %add3A_225 : vector<16xi32>
      %and3A_227 = arith.constant 31 : i32
      %and3A_228 = vector.broadcast %and3A_227 : i32 to vector<16xi32>
      %and3A_229 = arith.andi %add3A_226, %and3A_228 : vector<16xi32>
      %gather3A_230 = tpu.vector_load_idx %arg9[%add3A_174, %and3A_229] : memref<512x32xf32, #tpu.memory_space<vmem>>[vector<16xi32>, vector<16xi32>], vector<16xf32>,
      %gather3A_231 = tpu.vector_load_idx %arg10[%add3A_174, %and3A_229] : memref<512x32xf32, #tpu.memory_space<vmem>>[vector<16xi32>, vector<16xi32>], vector<16xf32>,
      %mul3A_232 = arith.mulf %gather3A_230, %gather3A_231 : vector<16xf32>
      %add3A_233 = arith.addf %add3A_223, %mul3A_232 : vector<16xf32>
      %add3A_234 = arith.constant 6 : i32
      %add3A_235 = vector.broadcast %add3A_234 : i32 to vector<16xi32>
      %add3A_236 = arith.addi %iota3A, %add3A_235 : vector<16xi32>
      %and3A_237 = arith.constant 31 : i32
      %and3A_238 = vector.broadcast %and3A_237 : i32 to vector<16xi32>
      %and3A_239 = arith.andi %add3A_236, %and3A_238 : vector<16xi32>
      %gather3A_240 = tpu.vector_load_idx %arg9[%add3A_174, %and3A_239] : memref<512x32xf32, #tpu.memory_space<vmem>>[vector<16xi32>, vector<16xi32>], vector<16xf32>,
      %gather3A_241 = tpu.vector_load_idx %arg10[%add3A_174, %and3A_239] : memref<512x32xf32, #tpu.memory_space<vmem>>[vector<16xi32>, vector<16xi32>], vector<16xf32>,
      %mul3A_242 = arith.mulf %gather3A_240, %gather3A_241 : vector<16xf32>
      %add3A_243 = arith.addf %add3A_233, %mul3A_242 : vector<16xf32>
      %add3A_244 = arith.constant 7 : i32
      %add3A_245 = vector.broadcast %add3A_244 : i32 to vector<16xi32>
      %add3A_246 = arith.addi %iota3A, %add3A_245 : vector<16xi32>
      %and3A_247 = arith.constant 31 : i32
      %and3A_248 = vector.broadcast %and3A_247 : i32 to vector<16xi32>
      %and3A_249 = arith.andi %add3A_246, %and3A_248 : vector<16xi32>
      %gather3A_250 = tpu.vector_load_idx %arg9[%add3A_174, %and3A_249] : memref<512x32xf32, #tpu.memory_space<vmem>>[vector<16xi32>, vector<16xi32>], vector<16xf32>,
      %gather3A_251 = tpu.vector_load_idx %arg10[%add3A_174, %and3A_249] : memref<512x32xf32, #tpu.memory_space<vmem>>[vector<16xi32>, vector<16xi32>], vector<16xf32>,
      %mul3A_252 = arith.mulf %gather3A_250, %gather3A_251 : vector<16xf32>
      %add3A_253 = arith.addf %add3A_243, %mul3A_252 : vector<16xf32>
      %add3A_254 = arith.constant 8 : i32
      %add3A_255 = vector.broadcast %add3A_254 : i32 to vector<16xi32>
      %add3A_256 = arith.addi %iota3A, %add3A_255 : vector<16xi32>
      %and3A_257 = arith.constant 31 : i32
      %and3A_258 = vector.broadcast %and3A_257 : i32 to vector<16xi32>
      %and3A_259 = arith.andi %add3A_256, %and3A_258 : vector<16xi32>
      %gather3A_260 = tpu.vector_load_idx %arg9[%add3A_174, %and3A_259] : memref<512x32xf32, #tpu.memory_space<vmem>>[vector<16xi32>, vector<16xi32>], vector<16xf32>,
      %gather3A_261 = tpu.vector_load_idx %arg10[%add3A_174, %and3A_259] : memref<512x32xf32, #tpu.memory_space<vmem>>[vector<16xi32>, vector<16xi32>], vector<16xf32>,
      %mul3A_262 = arith.mulf %gather3A_260, %gather3A_261 : vector<16xf32>
      %add3A_263 = arith.addf %add3A_253, %mul3A_262 : vector<16xf32>
      %add3A_264 = arith.constant 9 : i32
      %add3A_265 = vector.broadcast %add3A_264 : i32 to vector<16xi32>
      %add3A_266 = arith.addi %iota3A, %add3A_265 : vector<16xi32>
      %and3A_267 = arith.constant 31 : i32
      %and3A_268 = vector.broadcast %and3A_267 : i32 to vector<16xi32>
      %and3A_269 = arith.andi %add3A_266, %and3A_268 : vector<16xi32>
      %gather3A_270 = tpu.vector_load_idx %arg9[%add3A_174, %and3A_269] : memref<512x32xf32, #tpu.memory_space<vmem>>[vector<16xi32>, vector<16xi32>], vector<16xf32>,
      %gather3A_271 = tpu.vector_load_idx %arg10[%add3A_174, %and3A_269] : memref<512x32xf32, #tpu.memory_space<vmem>>[vector<16xi32>, vector<16xi32>], vector<16xf32>,
      %mul3A_272 = arith.mulf %gather3A_270, %gather3A_271 : vector<16xf32>
      %add3A_273 = arith.addf %add3A_263, %mul3A_272 : vector<16xf32>
      %add3A_274 = arith.constant 10 : i32
      %add3A_275 = vector.broadcast %add3A_274 : i32 to vector<16xi32>
      %add3A_276 = arith.addi %iota3A, %add3A_275 : vector<16xi32>
      %and3A_277 = arith.constant 31 : i32
      %and3A_278 = vector.broadcast %and3A_277 : i32 to vector<16xi32>
      %and3A_279 = arith.andi %add3A_276, %and3A_278 : vector<16xi32>
      %gather3A_280 = tpu.vector_load_idx %arg9[%add3A_174, %and3A_279] : memref<512x32xf32, #tpu.memory_space<vmem>>[vector<16xi32>, vector<16xi32>], vector<16xf32>,
      %gather3A_281 = tpu.vector_load_idx %arg10[%add3A_174, %and3A_279] : memref<512x32xf32, #tpu.memory_space<vmem>>[vector<16xi32>, vector<16xi32>], vector<16xf32>,
      %mul3A_282 = arith.mulf %gather3A_280, %gather3A_281 : vector<16xf32>
      %add3A_283 = arith.addf %add3A_273, %mul3A_282 : vector<16xf32>
      %add3A_284 = arith.constant 11 : i32
      %add3A_285 = vector.broadcast %add3A_284 : i32 to vector<16xi32>
      %add3A_286 = arith.addi %iota3A, %add3A_285 : vector<16xi32>
      %and3A_287 = arith.constant 31 : i32
      %and3A_288 = vector.broadcast %and3A_287 : i32 to vector<16xi32>
      %and3A_289 = arith.andi %add3A_286, %and3A_288 : vector<16xi32>
      %gather3A_290 = tpu.vector_load_idx %arg9[%add3A_174, %and3A_289] : memref<512x32xf32, #tpu.memory_space<vmem>>[vector<16xi32>, vector<16xi32>], vector<16xf32>,
      %gather3A_291 = tpu.vector_load_idx %arg10[%add3A_174, %and3A_289] : memref<512x32xf32, #tpu.memory_space<vmem>>[vector<16xi32>, vector<16xi32>], vector<16xf32>,
      %mul3A_292 = arith.mulf %gather3A_290, %gather3A_291 : vector<16xf32>
      %add3A_293 = arith.addf %add3A_283, %mul3A_292 : vector<16xf32>
      %add3A_294 = arith.constant 12 : i32
      %add3A_295 = vector.broadcast %add3A_294 : i32 to vector<16xi32>
      %add3A_296 = arith.addi %iota3A, %add3A_295 : vector<16xi32>
      %and3A_297 = arith.constant 31 : i32
      %and3A_298 = vector.broadcast %and3A_297 : i32 to vector<16xi32>
      %and3A_299 = arith.andi %add3A_296, %and3A_298 : vector<16xi32>
      %gather3A_300 = tpu.vector_load_idx %arg9[%add3A_174, %and3A_299] : memref<512x32xf32, #tpu.memory_space<vmem>>[vector<16xi32>, vector<16xi32>], vector<16xf32>,
      %gather3A_301 = tpu.vector_load_idx %arg10[%add3A_174, %and3A_299] : memref<512x32xf32, #tpu.memory_space<vmem>>[vector<16xi32>, vector<16xi32>], vector<16xf32>,
      %mul3A_302 = arith.mulf %gather3A_300, %gather3A_301 : vector<16xf32>
      %add3A_303 = arith.addf %add3A_293, %mul3A_302 : vector<16xf32>
      %add3A_304 = arith.constant 13 : i32
      %add3A_305 = vector.broadcast %add3A_304 : i32 to vector<16xi32>
      %add3A_306 = arith.addi %iota3A, %add3A_305 : vector<16xi32>
      %and3A_307 = arith.constant 31 : i32
      %and3A_308 = vector.broadcast %and3A_307 : i32 to vector<16xi32>
      %and3A_309 = arith.andi %add3A_306, %and3A_308 : vector<16xi32>
      %gather3A_310 = tpu.vector_load_idx %arg9[%add3A_174, %and3A_309] : memref<512x32xf32, #tpu.memory_space<vmem>>[vector<16xi32>, vector<16xi32>], vector<16xf32>,
      %gather3A_311 = tpu.vector_load_idx %arg10[%add3A_174, %and3A_309] : memref<512x32xf32, #tpu.memory_space<vmem>>[vector<16xi32>, vector<16xi32>], vector<16xf32>,
      %mul3A_312 = arith.mulf %gather3A_310, %gather3A_311 : vector<16xf32>
      %add3A_313 = arith.addf %add3A_303, %mul3A_312 : vector<16xf32>
      %add3A_314 = arith.constant 14 : i32
      %add3A_315 = vector.broadcast %add3A_314 : i32 to vector<16xi32>
      %add3A_316 = arith.addi %iota3A, %add3A_315 : vector<16xi32>
      %and3A_317 = arith.constant 31 : i32
      %and3A_318 = vector.broadcast %and3A_317 : i32 to vector<16xi32>
      %and3A_319 = arith.andi %add3A_316, %and3A_318 : vector<16xi32>
      %gather3A_320 = tpu.vector_load_idx %arg9[%add3A_174, %and3A_319] : memref<512x32xf32, #tpu.memory_space<vmem>>[vector<16xi32>, vector<16xi32>], vector<16xf32>,
      %gather3A_321 = tpu.vector_load_idx %arg10[%add3A_174, %and3A_319] : memref<512x32xf32, #tpu.memory_space<vmem>>[vector<16xi32>, vector<16xi32>], vector<16xf32>,
      %mul3A_322 = arith.mulf %gather3A_320, %gather3A_321 : vector<16xf32>
      %add3A_323 = arith.addf %add3A_313, %mul3A_322 : vector<16xf32>
      %add3A_324 = arith.constant 15 : i32
      %add3A_325 = vector.broadcast %add3A_324 : i32 to vector<16xi32>
      %add3A_326 = arith.addi %iota3A, %add3A_325 : vector<16xi32>
      %and3A_327 = arith.constant 31 : i32
      %and3A_328 = vector.broadcast %and3A_327 : i32 to vector<16xi32>
      %and3A_329 = arith.andi %add3A_326, %and3A_328 : vector<16xi32>
      %gather3A_330 = tpu.vector_load_idx %arg9[%add3A_174, %and3A_329] : memref<512x32xf32, #tpu.memory_space<vmem>>[vector<16xi32>, vector<16xi32>], vector<16xf32>,
      %gather3A_331 = tpu.vector_load_idx %arg10[%add3A_174, %and3A_329] : memref<512x32xf32, #tpu.memory_space<vmem>>[vector<16xi32>, vector<16xi32>], vector<16xf32>,
      %mul3A_332 = arith.mulf %gather3A_330, %gather3A_331 : vector<16xf32>
      %add3A_333 = arith.addf %add3A_323, %mul3A_332 : vector<16xf32>
      %add3A_334 = arith.constant 16 : i32
      %add3A_335 = vector.broadcast %add3A_334 : i32 to vector<16xi32>
      %add3A_336 = arith.addi %iota3A, %add3A_335 : vector<16xi32>
      %and3A_337 = arith.constant 31 : i32
      %and3A_338 = vector.broadcast %and3A_337 : i32 to vector<16xi32>
      %and3A_339 = arith.andi %add3A_336, %and3A_338 : vector<16xi32>
      %gather3A_340 = tpu.vector_load_idx %arg9[%add3A_174, %and3A_339] : memref<512x32xf32, #tpu.memory_space<vmem>>[vector<16xi32>, vector<16xi32>], vector<16xf32>,
      %gather3A_341 = tpu.vector_load_idx %arg10[%add3A_174, %and3A_339] : memref<512x32xf32, #tpu.memory_space<vmem>>[vector<16xi32>, vector<16xi32>], vector<16xf32>,
      %mul3A_342 = arith.mulf %gather3A_340, %gather3A_341 : vector<16xf32>
      %add3A_343 = arith.addf %add3A_333, %mul3A_342 : vector<16xf32>
      %add3A_344 = arith.constant 17 : i32
      %add3A_345 = vector.broadcast %add3A_344 : i32 to vector<16xi32>
      %add3A_346 = arith.addi %iota3A, %add3A_345 : vector<16xi32>
      %and3A_347 = arith.constant 31 : i32
      %and3A_348 = vector.broadcast %and3A_347 : i32 to vector<16xi32>
      %and3A_349 = arith.andi %add3A_346, %and3A_348 : vector<16xi32>
      %gather3A_350 = tpu.vector_load_idx %arg9[%add3A_174, %and3A_349] : memref<512x32xf32, #tpu.memory_space<vmem>>[vector<16xi32>, vector<16xi32>], vector<16xf32>,
      %gather3A_351 = tpu.vector_load_idx %arg10[%add3A_174, %and3A_349] : memref<512x32xf32, #tpu.memory_space<vmem>>[vector<16xi32>, vector<16xi32>], vector<16xf32>,
      %mul3A_352 = arith.mulf %gather3A_350, %gather3A_351 : vector<16xf32>
      %add3A_353 = arith.addf %add3A_343, %mul3A_352 : vector<16xf32>
      %add3A_354 = arith.constant 18 : i32
      %add3A_355 = vector.broadcast %add3A_354 : i32 to vector<16xi32>
      %add3A_356 = arith.addi %iota3A, %add3A_355 : vector<16xi32>
      %and3A_357 = arith.constant 31 : i32
      %and3A_358 = vector.broadcast %and3A_357 : i32 to vector<16xi32>
      %and3A_359 = arith.andi %add3A_356, %and3A_358 : vector<16xi32>
      %gather3A_360 = tpu.vector_load_idx %arg9[%add3A_174, %and3A_359] : memref<512x32xf32, #tpu.memory_space<vmem>>[vector<16xi32>, vector<16xi32>], vector<16xf32>,
      %gather3A_361 = tpu.vector_load_idx %arg10[%add3A_174, %and3A_359] : memref<512x32xf32, #tpu.memory_space<vmem>>[vector<16xi32>, vector<16xi32>], vector<16xf32>,
      %mul3A_362 = arith.mulf %gather3A_360, %gather3A_361 : vector<16xf32>
      %add3A_363 = arith.addf %add3A_353, %mul3A_362 : vector<16xf32>
      %add3A_364 = arith.constant 19 : i32
      %add3A_365 = vector.broadcast %add3A_364 : i32 to vector<16xi32>
      %add3A_366 = arith.addi %iota3A, %add3A_365 : vector<16xi32>
      %and3A_367 = arith.constant 31 : i32
      %and3A_368 = vector.broadcast %and3A_367 : i32 to vector<16xi32>
      %and3A_369 = arith.andi %add3A_366, %and3A_368 : vector<16xi32>
      %gather3A_370 = tpu.vector_load_idx %arg9[%add3A_174, %and3A_369] : memref<512x32xf32, #tpu.memory_space<vmem>>[vector<16xi32>, vector<16xi32>], vector<16xf32>,
      %gather3A_371 = tpu.vector_load_idx %arg10[%add3A_174, %and3A_369] : memref<512x32xf32, #tpu.memory_space<vmem>>[vector<16xi32>, vector<16xi32>], vector<16xf32>,
      %mul3A_372 = arith.mulf %gather3A_370, %gather3A_371 : vector<16xf32>
      %add3A_373 = arith.addf %add3A_363, %mul3A_372 : vector<16xf32>
      %add3A_374 = arith.constant 20 : i32
      %add3A_375 = vector.broadcast %add3A_374 : i32 to vector<16xi32>
      %add3A_376 = arith.addi %iota3A, %add3A_375 : vector<16xi32>
      %and3A_377 = arith.constant 31 : i32
      %and3A_378 = vector.broadcast %and3A_377 : i32 to vector<16xi32>
      %and3A_379 = arith.andi %add3A_376, %and3A_378 : vector<16xi32>
      %gather3A_380 = tpu.vector_load_idx %arg9[%add3A_174, %and3A_379] : memref<512x32xf32, #tpu.memory_space<vmem>>[vector<16xi32>, vector<16xi32>], vector<16xf32>,
      %gather3A_381 = tpu.vector_load_idx %arg10[%add3A_174, %and3A_379] : memref<512x32xf32, #tpu.memory_space<vmem>>[vector<16xi32>, vector<16xi32>], vector<16xf32>,
      %mul3A_382 = arith.mulf %gather3A_380, %gather3A_381 : vector<16xf32>
      %add3A_383 = arith.addf %add3A_373, %mul3A_382 : vector<16xf32>
      %add3A_384 = arith.constant 21 : i32
      %add3A_385 = vector.broadcast %add3A_384 : i32 to vector<16xi32>
      %add3A_386 = arith.addi %iota3A, %add3A_385 : vector<16xi32>
      %and3A_387 = arith.constant 31 : i32
      %and3A_388 = vector.broadcast %and3A_387 : i32 to vector<16xi32>
      %and3A_389 = arith.andi %add3A_386, %and3A_388 : vector<16xi32>
      %gather3A_390 = tpu.vector_load_idx %arg9[%add3A_174, %and3A_389] : memref<512x32xf32, #tpu.memory_space<vmem>>[vector<16xi32>, vector<16xi32>], vector<16xf32>,
      %gather3A_391 = tpu.vector_load_idx %arg10[%add3A_174, %and3A_389] : memref<512x32xf32, #tpu.memory_space<vmem>>[vector<16xi32>, vector<16xi32>], vector<16xf32>,
      %mul3A_392 = arith.mulf %gather3A_390, %gather3A_391 : vector<16xf32>
      %add3A_393 = arith.addf %add3A_383, %mul3A_392 : vector<16xf32>
      %add3A_394 = arith.constant 22 : i32
      %add3A_395 = vector.broadcast %add3A_394 : i32 to vector<16xi32>
      %add3A_396 = arith.addi %iota3A, %add3A_395 : vector<16xi32>
      %and3A_397 = arith.constant 31 : i32
      %and3A_398 = vector.broadcast %and3A_397 : i32 to vector<16xi32>
      %and3A_399 = arith.andi %add3A_396, %and3A_398 : vector<16xi32>
      %gather3A_400 = tpu.vector_load_idx %arg9[%add3A_174, %and3A_399] : memref<512x32xf32, #tpu.memory_space<vmem>>[vector<16xi32>, vector<16xi32>], vector<16xf32>,
      %gather3A_401 = tpu.vector_load_idx %arg10[%add3A_174, %and3A_399] : memref<512x32xf32, #tpu.memory_space<vmem>>[vector<16xi32>, vector<16xi32>], vector<16xf32>,
      %mul3A_402 = arith.mulf %gather3A_400, %gather3A_401 : vector<16xf32>
      %add3A_403 = arith.addf %add3A_393, %mul3A_402 : vector<16xf32>
      %add3A_404 = arith.constant 23 : i32
      %add3A_405 = vector.broadcast %add3A_404 : i32 to vector<16xi32>
      %add3A_406 = arith.addi %iota3A, %add3A_405 : vector<16xi32>
      %and3A_407 = arith.constant 31 : i32
      %and3A_408 = vector.broadcast %and3A_407 : i32 to vector<16xi32>
      %and3A_409 = arith.andi %add3A_406, %and3A_408 : vector<16xi32>
      %gather3A_410 = tpu.vector_load_idx %arg9[%add3A_174, %and3A_409] : memref<512x32xf32, #tpu.memory_space<vmem>>[vector<16xi32>, vector<16xi32>], vector<16xf32>,
      %gather3A_411 = tpu.vector_load_idx %arg10[%add3A_174, %and3A_409] : memref<512x32xf32, #tpu.memory_space<vmem>>[vector<16xi32>, vector<16xi32>], vector<16xf32>,
      %mul3A_412 = arith.mulf %gather3A_410, %gather3A_411 : vector<16xf32>
      %add3A_413 = arith.addf %add3A_403, %mul3A_412 : vector<16xf32>
      %add3A_414 = arith.constant 24 : i32
      %add3A_415 = vector.broadcast %add3A_414 : i32 to vector<16xi32>
      %add3A_416 = arith.addi %iota3A, %add3A_415 : vector<16xi32>
      %and3A_417 = arith.constant 31 : i32
      %and3A_418 = vector.broadcast %and3A_417 : i32 to vector<16xi32>
      %and3A_419 = arith.andi %add3A_416, %and3A_418 : vector<16xi32>
      %gather3A_420 = tpu.vector_load_idx %arg9[%add3A_174, %and3A_419] : memref<512x32xf32, #tpu.memory_space<vmem>>[vector<16xi32>, vector<16xi32>], vector<16xf32>,
      %gather3A_421 = tpu.vector_load_idx %arg10[%add3A_174, %and3A_419] : memref<512x32xf32, #tpu.memory_space<vmem>>[vector<16xi32>, vector<16xi32>], vector<16xf32>,
      %mul3A_422 = arith.mulf %gather3A_420, %gather3A_421 : vector<16xf32>
      %add3A_423 = arith.addf %add3A_413, %mul3A_422 : vector<16xf32>
      %add3A_424 = arith.constant 25 : i32
      %add3A_425 = vector.broadcast %add3A_424 : i32 to vector<16xi32>
      %add3A_426 = arith.addi %iota3A, %add3A_425 : vector<16xi32>
      %and3A_427 = arith.constant 31 : i32
      %and3A_428 = vector.broadcast %and3A_427 : i32 to vector<16xi32>
      %and3A_429 = arith.andi %add3A_426, %and3A_428 : vector<16xi32>
      %gather3A_430 = tpu.vector_load_idx %arg9[%add3A_174, %and3A_429] : memref<512x32xf32, #tpu.memory_space<vmem>>[vector<16xi32>, vector<16xi32>], vector<16xf32>,
      %gather3A_431 = tpu.vector_load_idx %arg10[%add3A_174, %and3A_429] : memref<512x32xf32, #tpu.memory_space<vmem>>[vector<16xi32>, vector<16xi32>], vector<16xf32>,
      %mul3A_432 = arith.mulf %gather3A_430, %gather3A_431 : vector<16xf32>
      %add3A_433 = arith.addf %add3A_423, %mul3A_432 : vector<16xf32>
      %add3A_434 = arith.constant 26 : i32
      %add3A_435 = vector.broadcast %add3A_434 : i32 to vector<16xi32>
      %add3A_436 = arith.addi %iota3A, %add3A_435 : vector<16xi32>
      %and3A_437 = arith.constant 31 : i32
      %and3A_438 = vector.broadcast %and3A_437 : i32 to vector<16xi32>
      %and3A_439 = arith.andi %add3A_436, %and3A_438 : vector<16xi32>
      %gather3A_440 = tpu.vector_load_idx %arg9[%add3A_174, %and3A_439] : memref<512x32xf32, #tpu.memory_space<vmem>>[vector<16xi32>, vector<16xi32>], vector<16xf32>,
      %gather3A_441 = tpu.vector_load_idx %arg10[%add3A_174, %and3A_439] : memref<512x32xf32, #tpu.memory_space<vmem>>[vector<16xi32>, vector<16xi32>], vector<16xf32>,
      %mul3A_442 = arith.mulf %gather3A_440, %gather3A_441 : vector<16xf32>
      %add3A_443 = arith.addf %add3A_433, %mul3A_442 : vector<16xf32>
      %add3A_444 = arith.constant 27 : i32
      %add3A_445 = vector.broadcast %add3A_444 : i32 to vector<16xi32>
      %add3A_446 = arith.addi %iota3A, %add3A_445 : vector<16xi32>
      %and3A_447 = arith.constant 31 : i32
      %and3A_448 = vector.broadcast %and3A_447 : i32 to vector<16xi32>
      %and3A_449 = arith.andi %add3A_446, %and3A_448 : vector<16xi32>
      %gather3A_450 = tpu.vector_load_idx %arg9[%add3A_174, %and3A_449] : memref<512x32xf32, #tpu.memory_space<vmem>>[vector<16xi32>, vector<16xi32>], vector<16xf32>,
      %gather3A_451 = tpu.vector_load_idx %arg10[%add3A_174, %and3A_449] : memref<512x32xf32, #tpu.memory_space<vmem>>[vector<16xi32>, vector<16xi32>], vector<16xf32>,
      %mul3A_452 = arith.mulf %gather3A_450, %gather3A_451 : vector<16xf32>
      %add3A_453 = arith.addf %add3A_443, %mul3A_452 : vector<16xf32>
      %add3A_454 = arith.constant 28 : i32
      %add3A_455 = vector.broadcast %add3A_454 : i32 to vector<16xi32>
      %add3A_456 = arith.addi %iota3A, %add3A_455 : vector<16xi32>
      %and3A_457 = arith.constant 31 : i32
      %and3A_458 = vector.broadcast %and3A_457 : i32 to vector<16xi32>
      %and3A_459 = arith.andi %add3A_456, %and3A_458 : vector<16xi32>
      %gather3A_460 = tpu.vector_load_idx %arg9[%add3A_174, %and3A_459] : memref<512x32xf32, #tpu.memory_space<vmem>>[vector<16xi32>, vector<16xi32>], vector<16xf32>,
      %gather3A_461 = tpu.vector_load_idx %arg10[%add3A_174, %and3A_459] : memref<512x32xf32, #tpu.memory_space<vmem>>[vector<16xi32>, vector<16xi32>], vector<16xf32>,
      %mul3A_462 = arith.mulf %gather3A_460, %gather3A_461 : vector<16xf32>
      %add3A_463 = arith.addf %add3A_453, %mul3A_462 : vector<16xf32>
      %add3A_464 = arith.constant 29 : i32
      %add3A_465 = vector.broadcast %add3A_464 : i32 to vector<16xi32>
      %add3A_466 = arith.addi %iota3A, %add3A_465 : vector<16xi32>
      %and3A_467 = arith.constant 31 : i32
      %and3A_468 = vector.broadcast %and3A_467 : i32 to vector<16xi32>
      %and3A_469 = arith.andi %add3A_466, %and3A_468 : vector<16xi32>
      %gather3A_470 = tpu.vector_load_idx %arg9[%add3A_174, %and3A_469] : memref<512x32xf32, #tpu.memory_space<vmem>>[vector<16xi32>, vector<16xi32>], vector<16xf32>,
      %gather3A_471 = tpu.vector_load_idx %arg10[%add3A_174, %and3A_469] : memref<512x32xf32, #tpu.memory_space<vmem>>[vector<16xi32>, vector<16xi32>], vector<16xf32>,
      %mul3A_472 = arith.mulf %gather3A_470, %gather3A_471 : vector<16xf32>
      %add3A_473 = arith.addf %add3A_463, %mul3A_472 : vector<16xf32>
      %add3A_474 = arith.constant 30 : i32
      %add3A_475 = vector.broadcast %add3A_474 : i32 to vector<16xi32>
      %add3A_476 = arith.addi %iota3A, %add3A_475 : vector<16xi32>
      %and3A_477 = arith.constant 31 : i32
      %and3A_478 = vector.broadcast %and3A_477 : i32 to vector<16xi32>
      %and3A_479 = arith.andi %add3A_476, %and3A_478 : vector<16xi32>
      %gather3A_480 = tpu.vector_load_idx %arg9[%add3A_174, %and3A_479] : memref<512x32xf32, #tpu.memory_space<vmem>>[vector<16xi32>, vector<16xi32>], vector<16xf32>,
      %gather3A_481 = tpu.vector_load_idx %arg10[%add3A_174, %and3A_479] : memref<512x32xf32, #tpu.memory_space<vmem>>[vector<16xi32>, vector<16xi32>], vector<16xf32>,
      %mul3A_482 = arith.mulf %gather3A_480, %gather3A_481 : vector<16xf32>
      %add3A_483 = arith.addf %add3A_473, %mul3A_482 : vector<16xf32>
      %add3A_484 = arith.constant 31 : i32
      %add3A_485 = vector.broadcast %add3A_484 : i32 to vector<16xi32>
      %add3A_486 = arith.addi %iota3A, %add3A_485 : vector<16xi32>
      %and3A_487 = arith.constant 31 : i32
      %and3A_488 = vector.broadcast %and3A_487 : i32 to vector<16xi32>
      %and3A_489 = arith.andi %add3A_486, %and3A_488 : vector<16xi32>
      %gather3A_490 = tpu.vector_load_idx %arg9[%add3A_174, %and3A_489] : memref<512x32xf32, #tpu.memory_space<vmem>>[vector<16xi32>, vector<16xi32>], vector<16xf32>,
      %gather3A_491 = tpu.vector_load_idx %arg10[%add3A_174, %and3A_489] : memref<512x32xf32, #tpu.memory_space<vmem>>[vector<16xi32>, vector<16xi32>], vector<16xf32>,
      %mul3A_492 = arith.mulf %gather3A_490, %gather3A_491 : vector<16xf32>
      %add3A_493 = arith.addf %add3A_483, %mul3A_492 : vector<16xf32>
      %neg3A = arith.constant 0.000000e+00 : f32
      %neg3A_494 = vector.broadcast %neg3A : f32 to vector<16xf32>
      %neg3A_495 = arith.subf %neg3A_494, %add3A_493 : vector<16xf32>
      %exp3A = math.exp %neg3A_495 : vector<16xf32>
      %add3A_496 = arith.constant 1.000000e+00 : f32
      %add3A_497 = vector.broadcast %add3A_496 : f32 to vector<16xf32>
      %add3A_498 = arith.addf %add3A_497, %exp3A : vector<16xf32>
      %div3A = arith.constant 1.000000e+00 : f32
      %div3A_499 = vector.broadcast %div3A : f32 to vector<16xf32>
      %div3A_500 = arith.divf %div3A_499, %add3A_498 : vector<16xf32>
      %mul3A_501 = arith.constant 16 : i32
      %mul3A_502 = arith.muli %scan3A_170, %mul3A_501 : i32
      %swap3A = arith.index_cast %mul3A_502 : i32 to index
      %swap3A_503 = tpu.vector_load %arg11[%swap3A] {strides = array<i32>} : memref<512xf32, #tpu.memory_space<vmem>>, vector<16xf32>,
      tpu.vector_store %arg11[%swap3A], %div3A_500 {strides = array<i32>} : memref<512xf32, #tpu.memory_space<vmem>>, vector<16xf32>,
    }
    %scan3A_167 = arith.constant 32 : i32
    %mul3A_168 = arith.constant 512 : i32
    %mul3A_169 = arith.muli %add3A, %mul3A_168 : i32
    "tpu.region"() ({
      %run_scoped3A = tpu.sem_alloc : memref<!tpu.dma_semaphore, #tpu.memory_space<semaphore_mem>>
      %dma_start3A_170 = tpu.memref_slice %arg6[%mul3A_169] : memref<16384xf32, #tpu.memory_space<hbm>> -> memref<512xf32, #tpu.memory_space<hbm>>
      %dma_start3A_171 = tpu.memref_slice %arg6[%mul3A_169] : memref<16384xf32, #tpu.memory_space<hbm>> -> memref<512xf32, #tpu.memory_space<hbm>>
      tpu.enqueue_dma source(%arg11 : memref<512xf32, #tpu.memory_space<vmem>>) target(%dma_start3A_171 : memref<512xf32, #tpu.memory_space<hbm>>) target_semaphore(%run_scoped3A : memref<!tpu.dma_semaphore, #tpu.memory_space<semaphore_mem>>)
      %dma_wait3A_172 = tpu.memref_slice %arg6[%mul3A_169] : memref<16384xf32, #tpu.memory_space<hbm>> -> memref<512xf32, #tpu.memory_space<hbm>>
      %dma_wait3A_173 = tpu.memref_slice %arg6[%mul3A_169] : memref<16384xf32, #tpu.memory_space<hbm>> -> memref<512xf32, #tpu.memory_space<hbm>>
      tpu.wait_dma2 semaphore(%run_scoped3A : memref<!tpu.dma_semaphore, #tpu.memory_space<semaphore_mem>>) src(%arg11 : memref<512xf32, #tpu.memory_space<vmem>>) dst(%dma_wait3A_173 : memref<512xf32, #tpu.memory_space<hbm>>)
      tpu.yield
    }) : () -> ()
    return
  }
}

</mosaic_0001>

<sc_bundles>
// kernel: kernel.3.cloned.1.call-start
scs
__scs_entry_jumppad:
0x0: {  	(pc) =	sbr.rel $0x88, $3  }
0x1: {  	(tag) =	ssettag $0x0;
	lr =	simm.s32 $0x1  }
0x2: {  	[smem:$0x3F9D] =	sst lr;
	_ =	strace $0xD0000000  }
0x3: {  	_ = 	snop  }
0x4: {  	_ = 	snop  }
0x5: {  	_ = 	snop  }
0x6: {  	_ = 	snop  }
0x7: {  	_ = 	snop  }
__scs_overlays_trampoline_lowered:
0x8: {  	[smem:$0x3FAC] =	sst s0  }
0x9: {  	[smem:$0x3FAD] =	sst s1  }
0xa: {  	[smem:$0x3FAE] =	sst s2  }
0xb: {  	[smem:$0x3FAF] =	sst s3  }
0xc: {  	[smem:$0x3FB0] =	sst s4  }
0xd: {  	[smem:$0x3FB1] =	sst s5  }
0xe: {  	[smem:$0x3FB2] =	sst s6  }
0xf: {  	[smem:$0x3FB3] =	sst s7  }
0x10: {  	[smem:$0x3FB4] =	sst s8  }
0x11: {  	[smem:$0x3FB5] =	sst s9;
	s0 =	simm.s32 @!p0 $0x0  }
0x12: {  	s1 =	sld [smem:$0x3F9B];
	s0 =	simm.s32 @p0 $0x1  }
0x13: {  	[smem:$0x3FB6] =	sst s0;
	s0 =	simm.s32 @!p1 $0x0  }
0x14: {  	s2 =	sld [smem:$0x3F9A];
	s0 =	simm.s32 @p1 $0x1  }
0x15: {  	[smem:$0x3FB7] =	sst s0;
	s0 =	simm.s32 @!p2 $0x0  }
0x16: {  	s3 =	sld [smem:$0x3FDB];
	s0 =	simm.s32 @p2 $0x1  }
0x17: {  	s4 =	simm.s32 $0x1BF5;
	[smem:$0x3FB9] =	sst s0  }
0x18: {  	s0 =	sld [smem:$0x3F9C];
	_ =	swait.ge [sflag:s4], $0x0  }
0x19: {  	s7 =	sld [smem:$0x3F9D]  }
0x1a: {  	s8 =	sadd.s32 $0xFFFFE003, lr  }
0x1b: {  	s9 =	sadd.s32 $0xFFFFFEF7, lr;
	s5 =	simm.s32 $0xFFFFFFFF;
	p2 =	slt.u32 s8, $0xFFFFF086  }
0x1c: {  	p1 =	slt.u32 s9, $0xF7A;
	s5 =	simm.s32 @!p2 $0x0  }
0x1d: {  	s5 =	simm.s32 @p1 $0x1;
	p0 =	seq.s32 s7, s2  }
0x1e: {  	s7 =	smul.u32 @!p0 $0xF7A, s2;
	p2 =	seq.s32 @!p0 s5, $0x0  }
0x1f: {  	s9 =	smul.u32 $0xF7A, s1;
	s8 =	simm.s32 @!p0 $0x1BF5;
	p2 =	por !p2, p0  }
0x20: {  	[sflag:s8] =	ssyncset.s32 @!p0 $0xFFFFF086;
	s6 =	sadd.s32 @!p0 s3, s7;
	s7 =	simm.s32 @!p0 $0x108  }
0x21: {  	s3 =	sadd.s32 s3, s9;
	s6 =	sadd.s32 @!p0 $0x88, s6;
	s7 =	simm.s32 @p2 $0x1082  }
0x22: {  	[simem:s7], [sflag:s8] =	dma.local @!p0 [hbm:s6], $0xF7A  }
0x23: {  	s9 =	sor.u32 $0xD0000000, s2;
	s6 =	simm.s32 $0x108;
	_ =	swait.ge @!p0 [sflag:s8], $0x0  }
0x24: {  	s3 =	sadd.s32 $0x88, s3;
	s6 =	simm.s32 @!p1 $0x1082;
	[sflag:s4] =	ssyncset.s32 $0xFFFFF086  }
0x25: {  	[simem:s6], [sflag:s4] =	dma.local [hbm:s3], $0xF7A  }
0x26: {  	[smem:$0x3F9D] =	sst s1;
	(tag) =	ssettag s2;
	_ =	strace s9  }
0x27: {  	s1 =	sld [smem:$0x3FAD]  }
0x28: {  	s2 =	sld [smem:$0x3FAE]  }
0x29: {  	s4 =	sld [smem:$0x3FB0]  }
0x2a: {  	p0 =	seq.s32 s5, $0x0;
	s5 =	sld [smem:$0x3FB1]  }
0x2b: {  	s6 =	sld [smem:$0x3FB2]  }
0x2c: {  	s7 =	sld [smem:$0x3FB3]  }
0x2d: {  	s3 =	simm.s32 $0x108;
	s8 =	sld [smem:$0x3FB4]  }
0x2e: {  	s3 =	simm.s32 @!p0 $0x1082;
	s9 =	sld [smem:$0x3FB5]  }
0x2f: {  	lr =	sadd.s32 s0, s3;
	s0 =	sld [smem:$0x3FAC]  }
0x30: {  	s3 =	sld [smem:$0x3FAF]  }
0x31: {  	[smem:$0x3FB8] =	sst s10  }
0x32: {  	s10 =	sld [smem:$0x3FB6];
	_ =	sdelay $0x3  }
0x33: {  	p0 =	seq.s32 s10, $0x1;
	s10 =	sld [smem:$0x3FB8];
	_ =	sdelay $0x3  }
0x34: {  	[smem:$0x3FB8] =	sst s10  }
0x35: {  	s10 =	sld [smem:$0x3FB7];
	_ =	sdelay $0x3  }
0x36: {  	p1 =	seq.s32 s10, $0x1;
	s10 =	sld [smem:$0x3FB8];
	_ =	sdelay $0x3  }
0x37: {  	[smem:$0x3FB8] =	sst s10  }
0x38: {  	s10 =	sld [smem:$0x3FB9]  }
0x39: {  	_ = 	snop;
	(pc) =	sbr.ind lr, $3  }
0x3a: {  	_ = 	snop  }
0x3b: {  	_ = 	snop  }
0x3c: {  	p2 =	seq.s32 s10, $0x1;
	s10 =	sld [smem:$0x3FB8]  }
0x3d: {  	_ =	shalt  }
0x3e: {  	_ =	shalt  }
0x3f: {  	_ =	shalt  }
0x40: {  	_ =	shalt  }
0x41: {  	_ =	shalt  }
0x42: {  	_ =	shalt  }
0x43: {  	_ =	shalt  }
0x44: {  	_ =	shalt  }
0x45: {  	_ =	shalt  }
0x46: {  	_ =	shalt  }
0x47: {  	_ =	shalt  }
0x48: {  	_ =	shalt  }
0x49: {  	_ =	shalt  }
0x4a: {  	_ =	shalt  }
0x4b: {  	_ =	shalt  }
0x4c: {  	_ =	shalt  }
0x4d: {  	_ =	shalt  }
0x4e: {  	_ =	shalt  }
0x4f: {  	_ =	shalt  }
0x50: {  	_ =	shalt  }
0x51: {  	_ =	shalt  }
0x52: {  	_ =	shalt  }
0x53: {  	_ =	shalt  }
0x54: {  	_ =	shalt  }
0x55: {  	_ =	shalt  }
0x56: {  	_ =	shalt  }
0x57: {  	_ =	shalt  }
0x58: {  	_ =	shalt  }
0x59: {  	_ =	shalt  }
0x5a: {  	_ =	shalt  }
0x5b: {  	_ =	shalt  }
0x5c: {  	_ =	shalt  }
0x5d: {  	_ =	shalt  }
0x5e: {  	_ =	shalt  }
0x5f: {  	_ =	shalt  }
0x60: {  	_ =	shalt  }
0x61: {  	_ =	shalt  }
0x62: {  	_ =	shalt  }
0x63: {  	_ =	shalt  }
0x64: {  	_ =	shalt  }
0x65: {  	_ =	shalt  }
0x66: {  	_ =	shalt  }
0x67: {  	_ =	shalt  }
0x68: {  	_ =	shalt  }
0x69: {  	_ =	shalt  }
0x6a: {  	_ =	shalt  }
0x6b: {  	_ =	shalt  }
0x6c: {  	_ =	shalt  }
0x6d: {  	_ =	shalt  }
0x6e: {  	_ =	shalt  }
0x6f: {  	_ =	shalt  }
0x70: {  	_ =	shalt  }
0x71: {  	_ =	shalt  }
0x72: {  	_ =	shalt  }
0x73: {  	_ =	shalt  }
0x74: {  	_ =	shalt  }
0x75: {  	_ =	shalt  }
0x76: {  	_ =	shalt  }
0x77: {  	_ =	shalt  }
0x78: {  	_ =	shalt  }
0x79: {  	_ =	shalt  }
0x7a: {  	_ =	shalt  }
0x7b: {  	_ =	shalt  }
0x7c: {  	_ =	shalt  }
0x7d: {  	_ =	shalt  }
0x7e: {  	_ =	shalt  }
0x7f: {  	_ =	shalt  }
0x80: {  	_ =	shalt  }
0x81: {  	_ =	shalt  }
0x82: {  	_ =	shalt  }
0x83: {  	_ =	shalt  }
0x84: {  	_ =	shalt  }
0x85: {  	_ =	shalt  }
0x86: {  	_ =	shalt  }
0x87: {  	_ =	shalt  }
.Lfunc_end0:
.L_simem_size_0:
called_computation_lowered:
.L_overlay_start_0:
0x88: {  	s2 =	sld [smem:$0x3FD9]  }
0x89: {  	s3 =	sld [smem:$0x3FFE];
	_ =	sdelay $0x1  }
0x8a: {  	s1 =	srdreg.scid  }
0x8b: {  	s0 =	sand.u32 $0x1, s1  }
0x8c: {  	s17 =	sshll.u32 s0, $0xA;
	s2 =	sadd.s32 s3, s2  }
0x8d: {  	s2 =	sadd.s32 s2, s17  }
0x8e: {  	[smem:$0x3FC4] =	sst s2  }
0x8f: {  	_ = 	snop  }
0x90: {  	s2 =	sld [smem:$0x3FC9]  }
0x91: {  	s18 =	sld [smem:$0x3FC8]  }
0x92: {  	s4 =	sld [smem:$0x3FD0];
	(tm) =	ssettm $0x1  }
0x93: {  	s5 =	sld [smem:$0x3FFB];
	_ =	sdelay $0x3  }
0x94: {  	_ =	strace s5  }
0x95: {  	s5 =	sld [smem:$0x3FFC];
	_ =	sdelay $0x3  }
0x96: {  	_ =	strace s5  }
0x97: {  	s5 =	sld [smem:$0x3FFD];
	_ =	sdelay $0x3  }
0x98: {  	_ =	strace s5  }
0x99: {  	_ =	strace $0x8FFFFFFF  }
0x9a: {  	s19 =	sld [smem:$0x3FDB];
	_ =	sdelay $0x1  }
0x9b: {  	s6 =	simm.s32 $_scs_section_size  }
0x9c: {  	s7 =	simm.s32 $_size__tile_overlayer_lowered;
	s8 =	simm.s32 $_tile_overlayer_lowered  }
0x9d: {  	s22 =	simm.s32 $0x1BFF;
	s21 =	sshll.u32 s8, $0x1;
	s5 =	sadd.s32 s6, s19  }
0x9e: {  	s9 =	simm.s32 $0x0;
	s20 =	sshll.u32 s7, $0x1;
	s7 =	sadd.s32 s21, s5  }
0x9f: {  	[timem:s9], [sflag:s22] =	dma.local [hbm:s7], s20  }
0xa0: {  	_ =	swait.ge [sflag:s22], s20  }
0xa1: {  	s6 =	ssub.s32 $0x0, s20;
	[sflag:s22] =	ssyncset.done $0x0  }
0xa2: {  	[sflag:s22] =	ssyncadd.s32 s6;
	_ =	sdelay $0x1  }
0xa3: {  	s23 =	simm.s32 $0x1B8B  }
0xa4: {  	_ =	swait.ge [sflag:s23], $0x1  }
0xa5: {  	[sflag:s23] =	ssyncset.done $0x0  }
0xa6: {  	s25 =	simm.s32 $0x1B8E;
	s24 =	sld [smem:$0x3FFE];
	[sflag:s23] =	ssyncadd.s32 $0xFFFFFFFF  }
0xa7: {  	s26 =	simm.s32 $execute0_lowered;
	[smem:$0x3FD2] =	sst s25  }
0xa8: {  	s7 =	sshll.u32 s26, $0x1;
	_ =	strace $0x80000046;
	[dreg:$0x1] =	wrdreg $0xFFFFFFFF  }
0xa9: {  	s28 =	simm.s32 $_size_execute0_lowered;
	s5 =	sadd.s32 s5, s7;
	[dreg:$0x0] =	wrdreg $0x0  }
0xaa: {  	s7 =	sshll.u32 s28, $0x1;
	[dreg:$0x2] =	wrdreg s5  }
0xab: {  	[dreg:$0x3] =	wrdreg s7  }
0xac: {  	[dreg:$0x4] =	wrdreg $0xC0  }
0xad: {  	_ =	task [dreg:s9], $0x5FFFF  }
0xae: {  	[dreg:$0x1] =	wrdreg $0xFFFFFFFF  }
0xaf: {  	[dreg:$0x0] =	wrdreg $0x60  }
0xb0: {  	[dreg:$0x2] =	wrdreg s2  }
0xb1: {  	[dreg:$0x3] =	wrdreg s18  }
0xb2: {  	[dreg:$0x4] =	wrdreg s24  }
0xb3: {  	[dreg:$0x5] =	wrdreg s4  }
0xb4: {  	[dreg:$0x6] =	wrdreg $0x9  }
0xb5: {  	_ =	task.clear_ibuf [dreg:s9], $0x7FFFF;
	_ =	strace $0x90000046  }
0xb6: {  	s29 =	simm.s32 $0x9;
	_ =	strace $0x80000048  }
0xb7: {  	_ =	swait.ge [sflag:s29], $0x1  }
0xb8: {  	[sflag:s29] =	ssyncadd.s32 $0xFFFFFFFF  }
0xb9: {  	_ =	strace $0x90000048  }
0xba: {  	_ =	sfence  }
0xbb: {  	s30 =	sld [smem:$0x0];
	_ =	sdelay $0x2  }
0xbc: {  	s31 =	sshll.u32 s1, $0xD;
	s1 =	sshrl.u32 s1, $0x2  }
0xbd: {  	s3 =	sand.u32 $0x4000, s31;
	s1 =	sadd.s32 s1, s30  }
0xbe: {  	s0 =	sor.u32 s3, s0;
	s1 =	sshll.u32 s1, $0x11  }
0xbf: {  	s0 =	sor.u32 s1, s0  }
0xc0: {  	s0 =	sadd.s32 $0x8F2B, s0  }
0xc1: {  	[sflag:s0] =	ssyncadd.remote.s32 $0x1  }
0xc2: {  	_ =	sfence.sel $0xFFFF  }
0xc3: {  	[dreg:$0x0] =	wrdreg $0xFFFFFFFF;
	(pc) =	sbr.abs _section_cstart, $3  }
0xc4: {  	[dreg:$0x1] =	wrdreg $0xFFFFFFFF  }
0xc5: {  	_ =	task.clear_ibuf [dreg:s9], $0x2FFFF;
	_ =	strace $0x9FFFFFFF  }
0xc6: {  	(tm) =	ssettm $0x7FFFFFFF  }
0xc7: {  	_ =	shalt  }
tec
execute0_lowered:
.L_overlay_start_1:
0x0: {  	(tag) =	ssettag $0x1  }
0x1: {  	v0 =	vlaneseq.u32;
	v17 =	vimm.s32 $0x14131211;
	v18 =	vimm.s32 $0x18171615  }
0x2: {  	v19 =	vimm.s32 $0x1C1B1A19;
	v21 =	vimm.s32 $0x19181716;
	vm0 =	vcmask $0x1F10  }
0x3: {  	v22 =	vimm.s32 $0x1D1C1B1A;
	v24 =	vimm.s32 $0x16151413;
	v26 =	vimm.s32 $0x1A191817  }
0x4: {  	v29 =	vimm.s32 $0x201001F;
	v30 =	vimm.s32 $0x3020100;
	v31 =	vimm.s32 $0x1F1E1D1C  }
0x5: {  	v32 =	vimm.s32 $0x17161514;
	v33 =	vimm.s32 $0x1B1A1918;
	v53 =	vimm.s32 $0x4030201  }
0x6: {  	v54 =	vimm.s32 $0x5040302;
	v38 =	vimm.s32 $0x6050403;
	v55 =	vimm.s32 $0x98765432  }
0x7: {  	v56 =	vimm.s32 $0xA9876543;
	v57 =	vimm.s32 $0x32107654;
	v59 =	vimm.s32 $0x43218765  }
0x8: {  	v60 =	vimm.s32 $0x54329876;
	v61 =	vimm.s32 $0x6543A987;
	vm15 =	vcmask $0x2F10  }
0x9: {  	vm1 =	vcmask $0x3F30;
	v1 =	vmul.u32 $0x20, v0;
	v2 =	vadd.s32 $0x1, v0  }
0xa: {  	v3 =	vadd.s32 $0x2, v0;
	v4 =	vadd.s32 $0x3, v0;
	v5 =	vadd.s32 $0x4, v0  }
0xb: {  	v6 =	vadd.s32 $0x5, v0;
	v7 =	vadd.s32 $0x6, v0;
	v8 =	vadd.s32 $0x7, v0  }
0xc: {  	v9 =	vadd.s32 $0x8, v0;
	v10 =	vadd.s32 $0x9, v0;
	v11 =	vadd.s32 $0xA, v0  }
0xd: {  	v12 =	vadd.s32 $0xB, v0;
	v13 =	vadd.s32 $0xC, v0;
	v14 =	vadd.s32 $0xD, v0  }
0xe: {  	v15 =	vadd.s32 $0xE, v0;
	v17 =	vunpack.c.0.s8.s32 v17;
	v20 =	vunpack.c.0.s8.s32 v18  }
0xf: {  	v19 =	vunpack.c.0.s8.s32 v19;
	v18 =	vimm.s32 $0x1F1E1D;
	v21 =	vunpack.c.0.s8.s32 v21  }
0x10: {  	v22 =	vunpack.c.0.s8.s32 v22;
	v27 =	vunpack.c.0.s8.s32 v18;
	v18 =	vimm.s32 $0x15141312  }
0x11: {  	v29 =	vunpack.c.0.s8.s32 v29;
	v30 =	vunpack.c.0.s8.s32 v30;
	v18 =	vunpack.c.0.s8.s32 v18  }
0x12: {  	v31 =	vunpack.c.0.s8.s32 v31;
	v32 =	vunpack.c.0.s8.s32 v32;
	v33 =	vunpack.c.0.s8.s32 v33  }
0x13: {  	v17 =	vsel vm0, v20, v17;
	v23 =	vsel vm0, v21, v18;
	v18 =	vimm.s32 $0x1001F1E  }
0x14: {  	v37 =	vsel vm0, v19, v20;
	v25 =	vsel vm0, v27, v19;
	v28 =	vunpack.c.0.s8.s32 v18  }
0x15: {  	v18 =	vunpack.c.0.s8.s32 v24;
	v24 =	vunpack.c.0.s8.s32 v26;
	v26 =	vimm.s32 $0x1E1D1C1B  }
0x16: {  	v17 =	vcombine.low v17, v25;
	v26 =	vunpack.c.0.s8.s32 v26;
	v34 =	vsel vm0, v28, v22  }
0x17: {  	v35 =	vsel vm0, v24, v18;
	v18 =	vsel vm0, v30, v31;
	v30 =	vsel vm0, v33, v32  }
0x18: {  	v32 =	vunpack.c.0.s8.s32 v54;
	v22 =	vsel vm0, v22, v21;
	v36 =	vsel vm0, v29, v26  }
0x19: {  	v18 =	vcombine.low v30, v18;
	v30 =	vunpack.c.0.s8.s32 v53;
	v19 =	vcombine.low v23, v34  }
0x1a: {  	v23 =	vunpack.c.0.s8.s32 v38;
	v24 =	vsel vm0, v26, v24;
	v26 =	vimm.s32 $0x76543210  }
0x1b: {  	v20 =	vcombine.low v35, v36;
	v32 =	vsel vm0, v32, v28;
	v30 =	vsel vm0, v30, v27  }
0x1c: {  	s5 =	rddreg [dreg:$0x0];
	v26 =	vunpack.c.l.s4.s8 v26;
	v21 =	vcombine.low v37, v30;
	v30 =	vimm.s32 $0x87654321  }
0x1d: {  	s6 =	rddreg [dreg:$0x1];
	v22 =	vcombine.low v22, v32;
	v23 =	vsel vm0, v23, v29;
	v30 =	vunpack.c.l.s4.s8 v30  }
0x1e: {  	s4 =	rddreg [dreg:$0x2];
	v32 =	vunpack.c.l.s4.s8 v55;
	v23 =	vcombine.low v24, v23;
	v26 =	vunpack.c.0.s8.s32 v26  }
0x1f: {  	s7 =	rddreg [dreg:$0x3];
	v24 =	vsel vm0, v31, v33;
	v33 =	vunpack.c.l.s4.s8 v56;
	v30 =	vunpack.c.0.s8.s32 v30  }
0x20: {  	s0 =	rddreg [dreg:$0x4];
	s1 =	simm.s32 $0x0;
	v35 =	vunpack.c.l.s4.s8 v61;
	v32 =	vunpack.c.0.s8.s32 v32;
	v24 =	vcombine.low v24, v26  }
0x21: {  	s8 =	srdreg.scid;
	s2 =	stileid.u32;
	s12 =	simm.s32 $0x4400;
	v58 =	vunpack.c.0.s8.s32 v33;
	v26 =	vand.u32 $0xF, v30;
	v30 =	vunpack.c.l.s4.s8 v57  }
0x22: {  	s13 =	simm.s32 $0x80;
	s14 =	simm.s32 $0x1400;
	s15 =	simm.s32 $0x280;
	v33 =	vunpack.c.l.s4.s8 v59;
	v25 =	vcombine.low v25, v26;
	v26 =	vand.u32 $0xF, v32  }
0x23: {  	s16 =	simm.s32 $0x5400;
	s17 =	simm.s32 $0x100;
	s18 =	simm.s32 $0x2400;
	v26 =	vcombine.low v34, v26;
	v30 =	vunpack.c.0.s8.s32 v30;
	v34 =	vunpack.c.l.s4.s8 v60  }
0x24: {  	s19 =	simm.s32 $0x300;
	s20 =	simm.s32 $0x6400;
	s21 =	simm.s32 $0x180;
	v16 =	vadd.s32 $0xF, v0;
	v35 =	vunpack.c.0.s8.s32 v35;
	v33 =	vunpack.c.0.s8.s32 v33  }
0x25: {  	s22 =	simm.s32 $0x3400;
	s23 =	simm.s32 $0x380;
	s24 =	simm.s32 $0x7400;
	v32 =	vand.u32 $0xF, v58;
	v30 =	vand.u32 $0xF, v30;
	v34 =	vunpack.c.0.s8.s32 v34  }
0x26: {  	s25 =	simm.s32 $0x1;
	s26 =	simm.s32 $0x8400;
	s28 =	simm.s32 $0x0;
	v33 =	vand.u32 $0xF, v33;
	v30 =	vsel vm15, v30, v31;
	v31 =	vimm.s32 $0xB0A0908  }
0x27: {  	[smem:$0x7FF] =	sst s1;
	s3 =	sadd.s32 $0xF42800, s4;
	s8 =	sand.u32 $0x1, s8;
	v33 =	vsel vm15, v33, v27;
	v31 =	vunpack.c.0.s8.s32 v31;
	v27 =	vand.u32 $0xF, v34  }
0x28: {  	s10 =	sshll.u32 s2, $0x7;
	s4 =	sadd.s32 $0x1313200, s4;
	s9 =	ssub.s32 $0x2, s8;
	v34 =	vsel vm15, v27, v28;
	v27 =	vimm.s32 $0xC0B0A09;
	v28 =	vand.u32 $0xF, v35  }
0x29: {  	_ =	strace $0x80000047;
	s8 =	sshll.u32 s8, $0x6;
	s11 =	sshrl.u32 s9, $0x1;
	v35 =	vsel vm15, v28, v29;
	v28 =	vimm.s32 $0xD0C0B0A;
	v29 =	vimm.s32 $0xE0D0C0B  }
0x2a: {  	s8 =	sor.u32 s8, s10;
	s10 =	simm.s32 $0x200;
	s9 =	ssub.s32 s9, s11;
	v62 =	vunpack.c.0.s8.s32 v27;
	v63 =	vunpack.c.0.s8.s32 v28;
	v39 =	vunpack.c.0.s8.s32 v29  }
0x2b: {  	s5 =	sadd.s32 s5, s8;
	s6 =	sadd.s32 s6, s8;
	s7 =	sadd.s32 s7, s8;
	v27 =	vcombine.low v36, v32;
	v28 =	vor.u32 $0x10, v0;
	v29 =	vsel vm1, v31, v30  }
0x2c: {  	s11 =	simm.s32 $0x400;
	s8 =	smax.u32 s9, $0x1;
	s9 =	simm.s32 $0x2;
	v30 =	vsel vm1, v62, v33;
	v31 =	vsel vm1, v63, v34;
	v32 =	vsel vm1, v39, v35  }
.LBB2_1:
0x2d: {  	[tilespmem:s1], [sflag:$0x2] =	stream.linear.gather [hbm4b:s5+s1], $0x200, $0x38;
	[tilespmem:$0x8600] =	vst v63  }
0x2e: {  	_ =	swait.ge [sflag:s9], $0x200  }
0x2f: {  	[sflag:s9] =	ssyncset.done $0x0  }
0x30: {  	[sflag:s9] =	ssyncadd.s32 $0xFFFFFE00  }
0x31: {  	[tilespmem:s10], [sflag:$0x2] =	stream.linear.gather [hbm4b:s6+s1], $0x200, $0x38;
	[tilespmem:$0x8600] =	vst v63  }
0x32: {  	_ =	swait.ge [sflag:s9], $0x200  }
0x33: {  	[sflag:s9] =	ssyncset.done $0x0  }
0x34: {  	[sflag:s9] =	ssyncadd.s32 $0xFFFFFE00  }
0x35: {  	[tilespmem:s11], [sflag:$0x1] =	stream.indirect.gather [hbm4b:s3+s13], $0x20, s1, s13, $0xb8;
	[tilespmem:$0x8600] =	vst v63  }
0x36: {  	_ = 	snop  }
0x37: {  	[tilespmem:s12], [sflag:$0x1] =	stream.indirect.gather [hbm4b:s4+s13], $0x20, s10, s13, $0xb8;
	[tilespmem:$0x8600] =	vst v63  }
0x38: {  	_ = 	snop  }
0x39: {  	[tilespmem:s14], [sflag:$0x1] =	stream.indirect.gather [hbm4b:s3+s13], $0x20, s13, s13, $0xb8;
	[tilespmem:$0x8600] =	vst v63  }
0x3a: {  	_ = 	snop  }
0x3b: {  	[tilespmem:s16], [sflag:$0x1] =	stream.indirect.gather [hbm4b:s4+s13], $0x20, s15, s13, $0xb8;
	[tilespmem:$0x8600] =	vst v63  }
0x3c: {  	_ = 	snop  }
0x3d: {  	[tilespmem:s18], [sflag:$0x1] =	stream.indirect.gather [hbm4b:s3+s13], $0x20, s17, s13, $0xb8;
	[tilespmem:$0x8600] =	vst v63  }
0x3e: {  	_ = 	snop  }
0x3f: {  	[tilespmem:s20], [sflag:$0x1] =	stream.indirect.gather [hbm4b:s4+s13], $0x20, s19, s13, $0xb8;
	[tilespmem:$0x8600] =	vst v63  }
0x40: {  	_ = 	snop  }
0x41: {  	[tilespmem:s22], [sflag:$0x1] =	stream.indirect.gather [hbm4b:s3+s13], $0x20, s21, s13, $0xb8;
	[tilespmem:$0x8600] =	vst v63  }
0x42: {  	_ = 	snop  }
0x43: {  	[tilespmem:s24], [sflag:$0x1] =	stream.indirect.gather [hbm4b:s4+s13], $0x20, s23, s13, $0xb8;
	[tilespmem:$0x8600] =	vst v63  }
0x44: {  	_ =	swait.ge [sflag:s25], $0x1000  }
0x45: {  	[sflag:s25] =	ssyncset.done $0x0  }
0x46: {  	[sflag:s25] =	ssyncadd.s32 $0xFFFFF000  }
0x47: {  	_ =	swait.ge [sflag:s25], $0x1000  }
0x48: {  	[sflag:s25] =	ssyncset.done $0x0  }
0x49: {  	[sflag:s25] =	ssyncadd.s32 $0xFFFFF000  }
0x4a: {  	_ =	swait.ge [sflag:s25], $0x1000  }
0x4b: {  	[sflag:s25] =	ssyncset.done $0x0  }
0x4c: {  	[sflag:s25] =	ssyncadd.s32 $0xFFFFF000  }
0x4d: {  	_ =	swait.ge [sflag:s25], $0x1000  }
0x4e: {  	[sflag:s25] =	ssyncset.done $0x0  }
0x4f: {  	[sflag:s25] =	ssyncadd.s32 $0xFFFFF000  }
0x50: {  	_ =	swait.ge [sflag:s25], $0x1000  }
0x51: {  	[sflag:s25] =	ssyncset.done $0x0  }
0x52: {  	[sflag:s25] =	ssyncadd.s32 $0xFFFFF000  }
0x53: {  	_ =	swait.ge [sflag:s25], $0x1000  }
0x54: {  	v33 =	vmov s1;
	[sflag:s25] =	ssyncset.done $0x0  }
0x55: {  	v33 =	vshll.u32 v33, $0x5;
	[sflag:s25] =	ssyncadd.s32 $0xFFFFF000  }
0x56: {  	v33 =	vor.u32 v1, v33;
	_ =	swait.ge [sflag:s25], $0x1000  }
0x57: {  	v34 =	vor.u32 v0, v33;
	[sflag:s25] =	ssyncset.done $0x0  }
0x58: {  	[sflag:s25] =	ssyncadd.s32 $0xFFFFF000  }
0x59: {  	v35 =	vor.u32 v2, v33;
	_ =	swait.ge [sflag:s25], $0x1000  }
0x5a: {  	[sflag:s25] =	ssyncset.done $0x0  }
0x5b: {  	v36 =	vor.u32 v3, v33;
	[sflag:s25] =	ssyncadd.s32 $0xFFFFF000  }
0x5c: {  	v37 =	vld.idx.msk [tilespmem:v34+s12+$0x0], $0xffff  }
0x5d: {  	v38 =	vor.u32 v4, v33;
	v34 =	vld.idx.msk [tilespmem:v34+s11+$0x0], $0xffff  }
0x5e: {  	v39 =	vld.idx.msk [tilespmem:v35+s11+$0x0], $0xffff  }
0x5f: {  	v40 =	vor.u32 v5, v33;
	v35 =	vld.idx.msk [tilespmem:v35+s12+$0x0], $0xffff  }
0x60: {  	v41 =	vld.idx.msk [tilespmem:v36+s11+$0x0], $0xffff  }
0x61: {  	v42 =	vor.u32 v6, v33;
	v36 =	vld.idx.msk [tilespmem:v36+s12+$0x0], $0xffff  }
0x62: {  	v43 =	vld.idx.msk [tilespmem:v38+s11+$0x0], $0xffff;
	v34 =	vmul.f32 v37, v34  }
0x63: {  	v62 =	vor.u32 v7, v33;
	v61 =	vld.idx.msk [tilespmem:v38+s12+$0x0], $0xffff  }
0x64: {  	v44 =	vld.idx.msk [tilespmem:v40+s11+$0x0], $0xffff;
	v35 =	vmul.f32 v35, v39;
	v34 =	vadd.f32 $0.0e+00, v34  }
0x65: {  	v48 =	vor.u32 v8, v33;
	v63 =	vld.idx.msk [tilespmem:v40+s12+$0x0], $0xffff  }
0x66: {  	v45 =	vld.idx.msk [tilespmem:v42+s11+$0x0], $0xffff;
	v49 =	vmul.f32 v36, v41;
	v34 =	vadd.f32 v35, v34  }
0x67: {  	v51 =	vor.u32 v9, v33;
	v50 =	vld.idx.msk [tilespmem:v42+s12+$0x0], $0xffff  }
0x68: {  	v52 =	vld.idx.msk [tilespmem:v62+s11+$0x0], $0xffff;
	v53 =	vmul.f32 v61, v43;
	v34 =	vadd.f32 v49, v34  }
0x69: {  	v55 =	vor.u32 v10, v33;
	v54 =	vld.idx.msk [tilespmem:v62+s12+$0x0], $0xffff  }
0x6a: {  	v56 =	vld.idx.msk [tilespmem:v48+s11+$0x0], $0xffff;
	v57 =	vmul.f32 v63, v44;
	v34 =	vadd.f32 v53, v34  }
0x6b: {  	v59 =	vor.u32 v11, v33;
	v58 =	vld.idx.msk [tilespmem:v48+s12+$0x0], $0xffff  }
0x6c: {  	v60 =	vld.idx.msk [tilespmem:v51+s11+$0x0], $0xffff;
	v61 =	vmul.f32 v50, v45;
	v34 =	vadd.f32 v57, v34  }
0x6d: {  	v62 =	vld.idx.msk [tilespmem:v51+s12+$0x0], $0xffff;
	v63 =	vor.u32 v12, v33  }
0x6e: {  	v48 =	vld.idx.msk [tilespmem:v55+s11+$0x0], $0xffff;
	v49 =	vmul.f32 v54, v52;
	v34 =	vadd.f32 v61, v34  }
0x6f: {  	v51 =	vor.u32 v13, v33;
	v50 =	vld.idx.msk [tilespmem:v55+s12+$0x0], $0xffff  }
0x70: {  	v52 =	vld.idx.msk [tilespmem:v59+s11+$0x0], $0xffff;
	v53 =	vmul.f32 v58, v56;
	v34 =	vadd.f32 v49, v34  }
0x71: {  	v55 =	vor.u32 v14, v33;
	v54 =	vld.idx.msk [tilespmem:v59+s12+$0x0], $0xffff  }
0x72: {  	v56 =	vld.idx.msk [tilespmem:v63+s11+$0x0], $0xffff;
	v57 =	vmul.f32 v62, v60;
	v34 =	vadd.f32 v53, v34  }
0x73: {  	v59 =	vor.u32 v15, v33;
	v58 =	vld.idx.msk [tilespmem:v63+s12+$0x0], $0xffff  }
0x74: {  	v60 =	vld.idx.msk [tilespmem:v51+s11+$0x0], $0xffff;
	v61 =	vmul.f32 v50, v48;
	v34 =	vadd.f32 v57, v34  }
0x75: {  	v63 =	vor.u32 v16, v33;
	v62 =	vld.idx.msk [tilespmem:v51+s12+$0x0], $0xffff  }
0x76: {  	v48 =	vld.idx.msk [tilespmem:v55+s11+$0x0], $0xffff;
	v49 =	vmul.f32 v54, v52;
	v34 =	vadd.f32 v61, v34  }
0x77: {  	v51 =	vor.u32 v28, v33;
	v50 =	vld.idx.msk [tilespmem:v55+s12+$0x0], $0xffff  }
0x78: {  	v52 =	vld.idx.msk [tilespmem:v59+s11+$0x0], $0xffff;
	v53 =	vmul.f32 v58, v56;
	v34 =	vadd.f32 v49, v34  }
0x79: {  	v55 =	vor.u32 v17, v33;
	v54 =	vld.idx.msk [tilespmem:v59+s12+$0x0], $0xffff  }
0x7a: {  	v56 =	vld.idx.msk [tilespmem:v63+s11+$0x0], $0xffff;
	v57 =	vmul.f32 v62, v60;
	v34 =	vadd.f32 v53, v34  }
0x7b: {  	v59 =	vor.u32 v19, v33;
	v58 =	vld.idx.msk [tilespmem:v63+s12+$0x0], $0xffff  }
0x7c: {  	v60 =	vld.idx.msk [tilespmem:v51+s11+$0x0], $0xffff;
	v61 =	vmul.f32 v50, v48;
	v34 =	vadd.f32 v57, v34  }
0x7d: {  	v63 =	vor.u32 v20, v33;
	v62 =	vld.idx.msk [tilespmem:v51+s12+$0x0], $0xffff  }
0x7e: {  	v48 =	vld.idx.msk [tilespmem:v55+s11+$0x0], $0xffff;
	v49 =	vmul.f32 v54, v52;
	v34 =	vadd.f32 v61, v34  }
0x7f: {  	v51 =	vor.u32 v18, v33;
	v50 =	vld.idx.msk [tilespmem:v55+s12+$0x0], $0xffff  }
0x80: {  	v52 =	vld.idx.msk [tilespmem:v59+s11+$0x0], $0xffff;
	v53 =	vmul.f32 v58, v56;
	v34 =	vadd.f32 v49, v34  }
0x81: {  	v55 =	vor.u32 v21, v33;
	v54 =	vld.idx.msk [tilespmem:v59+s12+$0x0], $0xffff  }
0x82: {  	v56 =	vld.idx.msk [tilespmem:v63+s11+$0x0], $0xffff;
	v57 =	vmul.f32 v62, v60;
	v34 =	vadd.f32 v53, v34  }
0x83: {  	v59 =	vor.u32 v22, v33;
	v58 =	vld.idx.msk [tilespmem:v63+s12+$0x0], $0xffff  }
0x84: {  	v60 =	vld.idx.msk [tilespmem:v51+s11+$0x0], $0xffff;
	v61 =	vmul.f32 v50, v48;
	v34 =	vadd.f32 v57, v34  }
0x85: {  	v63 =	vor.u32 v23, v33;
	v62 =	vld.idx.msk [tilespmem:v51+s12+$0x0], $0xffff  }
0x86: {  	v48 =	vld.idx.msk [tilespmem:v55+s11+$0x0], $0xffff;
	v49 =	vmul.f32 v54, v52;
	v34 =	vadd.f32 v61, v34  }
0x87: {  	v51 =	vor.u32 v24, v33;
	v50 =	vld.idx.msk [tilespmem:v55+s12+$0x0], $0xffff  }
0x88: {  	v52 =	vld.idx.msk [tilespmem:v59+s11+$0x0], $0xffff;
	v53 =	vmul.f32 v58, v56;
	v34 =	vadd.f32 v49, v34  }
0x89: {  	v55 =	vor.u32 v25, v33;
	v54 =	vld.idx.msk [tilespmem:v59+s12+$0x0], $0xffff  }
0x8a: {  	v56 =	vld.idx.msk [tilespmem:v63+s11+$0x0], $0xffff;
	v57 =	vmul.f32 v62, v60;
	v34 =	vadd.f32 v53, v34  }
0x8b: {  	v59 =	vor.u32 v26, v33;
	v58 =	vld.idx.msk [tilespmem:v63+s12+$0x0], $0xffff  }
0x8c: {  	v60 =	vld.idx.msk [tilespmem:v51+s11+$0x0], $0xffff;
	v61 =	vmul.f32 v50, v48;
	v34 =	vadd.f32 v57, v34  }
0x8d: {  	v63 =	vor.u32 v27, v33;
	v62 =	vld.idx.msk [tilespmem:v51+s12+$0x0], $0xffff  }
0x8e: {  	v48 =	vld.idx.msk [tilespmem:v55+s11+$0x0], $0xffff;
	v49 =	vmul.f32 v54, v52;
	v34 =	vadd.f32 v61, v34  }
0x8f: {  	v51 =	vor.u32 v29, v33;
	v50 =	vld.idx.msk [tilespmem:v55+s12+$0x0], $0xffff  }
0x90: {  	v52 =	vld.idx.msk [tilespmem:v59+s11+$0x0], $0xffff;
	v53 =	vmul.f32 v58, v56;
	v34 =	vadd.f32 v49, v34  }
0x91: {  	v55 =	vor.u32 v30, v33;
	v54 =	vld.idx.msk [tilespmem:v59+s12+$0x0], $0xffff  }
0x92: {  	v56 =	vld.idx.msk [tilespmem:v63+s11+$0x0], $0xffff;
	v57 =	vmul.f32 v62, v60;
	v34 =	vadd.f32 v53, v34  }
0x93: {  	v59 =	vor.u32 v31, v33;
	v58 =	vld.idx.msk [tilespmem:v63+s12+$0x0], $0xffff  }
0x94: {  	v60 =	vld.idx.msk [tilespmem:v51+s11+$0x0], $0xffff;
	v61 =	vmul.f32 v50, v48;
	v34 =	vadd.f32 v57, v34  }
0x95: {  	v33 =	vor.u32 v32, v33;
	v62 =	vld.idx.msk [tilespmem:v51+s12+$0x0], $0xffff  }
0x96: {  	v63 =	vld.idx.msk [tilespmem:v55+s11+$0x0], $0xffff;
	v45 =	vmul.f32 v54, v52;
	v34 =	vadd.f32 v61, v34  }
0x97: {  	v46 =	vld.idx.msk [tilespmem:v55+s12+$0x0], $0xffff  }
0x98: {  	v47 =	vld.idx.msk [tilespmem:v59+s11+$0x0], $0xffff;
	v48 =	vmul.f32 v58, v56;
	v34 =	vadd.f32 v45, v34  }
0x99: {  	v49 =	vld.idx.msk [tilespmem:v59+s12+$0x0], $0xffff  }
0x9a: {  	v50 =	vld.idx.msk [tilespmem:v33+s11+$0x0], $0xffff;
	v51 =	vmul.f32 v62, v60;
	v34 =	vadd.f32 v48, v34  }
0x9b: {  	v33 =	vld.idx.msk [tilespmem:v33+s12+$0x0], $0xffff  }
0x9c: {  	v52 =	vmul.f32 v46, v63;
	v34 =	vadd.f32 v51, v34;
	_ =	sdelay $0x1  }
0x9d: {  	v53 =	vmul.f32 v49, v47;
	v34 =	vadd.f32 v52, v34;
	_ =	sdelay $0x1  }
0x9e: {  	v33 =	vmul.f32 v33, v50;
	v34 =	vadd.f32 v53, v34;
	_ =	sdelay $0x1  }
0x9f: {  	v33 =	vadd.f32 v33, v34;
	_ =	sdelay $0x1  }
0xa0: {  	v33 =	vsub.f32 $0.0e+00, v33;
	_ =	sdelay $0x1  }
0xa1: {  	v33 =	vmul.f32 $1.442695020e+00, v33;
	_ =	sdelay $0x1  }
0xa2: {  	(erf) = vpow2.f32 v33;
	_ =	sdelay $0x8  }
0xa3: {  	v33 =	vpop (erf)  }
0xa4: {  	v33 =	vadd.f32 $1.000000000e+00, v33;
	_ =	sdelay $0x1  }
0xa5: {  	(erf) = vrcp.f32 v33;
	_ =	sdelay $0x1  }
0xa6: {  	s29 =	simm.s32 $0x10  }
0xa7: {  	v54 =	vmov s29  }
0xa8: {  	v33 =	vshll.u32 v54, $0x5  }
0xa9: {  	v33 =	vor.u32 v1, v33  }
0xaa: {  	v55 =	vor.u32 v0, v33;
	_ =	sdelay $0x1  }
0xab: {  	v56 =	vor.u32 v2, v33  }
0xac: {  	v57 =	vpop (erf)  }
0xad: {  	v58 =	vor.u32 v3, v33;
	[tilespmem:s26+$0x0] =	vst v57  }
0xae: {  	v36 =	vld.idx.msk [tilespmem:v55+s12+$0x0], $0xffff  }
0xaf: {  	v59 =	vor.u32 v4, v33;
	v34 =	vld.idx.msk [tilespmem:v55+s11+$0x0], $0xffff  }
0xb0: {  	v60 =	vld.idx.msk [tilespmem:v56+s11+$0x0], $0xffff  }
0xb1: {  	v61 =	vor.u32 v5, v33;
	v35 =	vld.idx.msk [tilespmem:v56+s12+$0x0], $0xffff  }
0xb2: {  	v62 =	vld.idx.msk [tilespmem:v58+s11+$0x0], $0xffff  }
0xb3: {  	v63 =	vor.u32 v6, v33;
	v37 =	vld.idx.msk [tilespmem:v58+s12+$0x0], $0xffff  }
0xb4: {  	v48 =	vld.idx.msk [tilespmem:v59+s11+$0x0], $0xffff;
	v34 =	vmul.f32 v36, v34  }
0xb5: {  	v50 =	vor.u32 v7, v33;
	v49 =	vld.idx.msk [tilespmem:v59+s12+$0x0], $0xffff  }
0xb6: {  	v51 =	vld.idx.msk [tilespmem:v61+s11+$0x0], $0xffff;
	v35 =	vmul.f32 v35, v60;
	v34 =	vadd.f32 $0.0e+00, v34  }
0xb7: {  	v53 =	vor.u32 v8, v33;
	v52 =	vld.idx.msk [tilespmem:v61+s12+$0x0], $0xffff  }
0xb8: {  	v54 =	vld.idx.msk [tilespmem:v63+s11+$0x0], $0xffff;
	v55 =	vmul.f32 v37, v62;
	v34 =	vadd.f32 v35, v34  }
0xb9: {  	v57 =	vor.u32 v9, v33;
	v56 =	vld.idx.msk [tilespmem:v63+s12+$0x0], $0xffff  }
0xba: {  	v58 =	vld.idx.msk [tilespmem:v50+s11+$0x0], $0xffff;
	v59 =	vmul.f32 v49, v48;
	v34 =	vadd.f32 v55, v34  }
0xbb: {  	v61 =	vor.u32 v10, v33;
	v60 =	vld.idx.msk [tilespmem:v50+s12+$0x0], $0xffff  }
0xbc: {  	v62 =	vld.idx.msk [tilespmem:v53+s11+$0x0], $0xffff;
	v63 =	vmul.f32 v52, v51;
	v34 =	vadd.f32 v59, v34  }
0xbd: {  	v48 =	vld.idx.msk [tilespmem:v53+s12+$0x0], $0xffff;
	v49 =	vor.u32 v11, v33  }
0xbe: {  	v50 =	vld.idx.msk [tilespmem:v57+s11+$0x0], $0xffff;
	v51 =	vmul.f32 v56, v54;
	v34 =	vadd.f32 v63, v34  }
0xbf: {  	v52 =	vld.idx.msk [tilespmem:v57+s12+$0x0], $0xffff;
	v53 =	vor.u32 v12, v33  }
0xc0: {  	v54 =	vld.idx.msk [tilespmem:v61+s11+$0x0], $0xffff;
	v55 =	vmul.f32 v60, v58;
	v34 =	vadd.f32 v51, v34  }
0xc1: {  	v56 =	vld.idx.msk [tilespmem:v61+s12+$0x0], $0xffff;
	v57 =	vor.u32 v13, v33  }
0xc2: {  	v58 =	vld.idx.msk [tilespmem:v49+s11+$0x0], $0xffff;
	v59 =	vmul.f32 v48, v62;
	v34 =	vadd.f32 v55, v34  }
0xc3: {  	v61 =	vor.u32 v14, v33;
	v60 =	vld.idx.msk [tilespmem:v49+s12+$0x0], $0xffff  }
0xc4: {  	v62 =	vld.idx.msk [tilespmem:v53+s11+$0x0], $0xffff;
	v63 =	vmul.f32 v52, v50;
	v34 =	vadd.f32 v59, v34  }
0xc5: {  	v49 =	vor.u32 v15, v33;
	v48 =	vld.idx.msk [tilespmem:v53+s12+$0x0], $0xffff  }
0xc6: {  	v50 =	vld.idx.msk [tilespmem:v57+s11+$0x0], $0xffff;
	v51 =	vmul.f32 v56, v54;
	v34 =	vadd.f32 v63, v34  }
0xc7: {  	v53 =	vor.u32 v16, v33;
	v52 =	vld.idx.msk [tilespmem:v57+s12+$0x0], $0xffff  }
0xc8: {  	v54 =	vld.idx.msk [tilespmem:v61+s11+$0x0], $0xffff;
	v55 =	vmul.f32 v60, v58;
	v34 =	vadd.f32 v51, v34  }
0xc9: {  	v57 =	vor.u32 v28, v33;
	v56 =	vld.idx.msk [tilespmem:v61+s12+$0x0], $0xffff  }
0xca: {  	v58 =	vld.idx.msk [tilespmem:v49+s11+$0x0], $0xffff;
	v59 =	vmul.f32 v48, v62;
	v34 =	vadd.f32 v55, v34  }
0xcb: {  	v61 =	vor.u32 v17, v33;
	v60 =	vld.idx.msk [tilespmem:v49+s12+$0x0], $0xffff  }
0xcc: {  	v62 =	vld.idx.msk [tilespmem:v53+s11+$0x0], $0xffff;
	v63 =	vmul.f32 v52, v50;
	v34 =	vadd.f32 v59, v34  }
0xcd: {  	v49 =	vor.u32 v19, v33;
	v48 =	vld.idx.msk [tilespmem:v53+s12+$0x0], $0xffff  }
0xce: {  	v50 =	vld.idx.msk [tilespmem:v57+s11+$0x0], $0xffff;
	v51 =	vmul.f32 v56, v54;
	v34 =	vadd.f32 v63, v34  }
0xcf: {  	v53 =	vor.u32 v20, v33;
	v52 =	vld.idx.msk [tilespmem:v57+s12+$0x0], $0xffff  }
0xd0: {  	v54 =	vld.idx.msk [tilespmem:v61+s11+$0x0], $0xffff;
	v55 =	vmul.f32 v60, v58;
	v34 =	vadd.f32 v51, v34  }
0xd1: {  	v57 =	vor.u32 v18, v33;
	v56 =	vld.idx.msk [tilespmem:v61+s12+$0x0], $0xffff  }
0xd2: {  	v58 =	vld.idx.msk [tilespmem:v49+s11+$0x0], $0xffff;
	v59 =	vmul.f32 v48, v62;
	v34 =	vadd.f32 v55, v34  }
0xd3: {  	v61 =	vor.u32 v21, v33;
	v60 =	vld.idx.msk [tilespmem:v49+s12+$0x0], $0xffff  }
0xd4: {  	v62 =	vld.idx.msk [tilespmem:v53+s11+$0x0], $0xffff;
	v63 =	vmul.f32 v52, v50;
	v34 =	vadd.f32 v59, v34  }
0xd5: {  	v49 =	vor.u32 v22, v33;
	v48 =	vld.idx.msk [tilespmem:v53+s12+$0x0], $0xffff  }
0xd6: {  	v50 =	vld.idx.msk [tilespmem:v57+s11+$0x0], $0xffff;
	v51 =	vmul.f32 v56, v54;
	v34 =	vadd.f32 v63, v34  }
0xd7: {  	v53 =	vor.u32 v23, v33;
	v52 =	vld.idx.msk [tilespmem:v57+s12+$0x0], $0xffff  }
0xd8: {  	v54 =	vld.idx.msk [tilespmem:v61+s11+$0x0], $0xffff;
	v55 =	vmul.f32 v60, v58;
	v34 =	vadd.f32 v51, v34  }
0xd9: {  	v57 =	vor.u32 v24, v33;
	v56 =	vld.idx.msk [tilespmem:v61+s12+$0x0], $0xffff  }
0xda: {  	v58 =	vld.idx.msk [tilespmem:v49+s11+$0x0], $0xffff;
	v59 =	vmul.f32 v48, v62;
	v34 =	vadd.f32 v55, v34  }
0xdb: {  	v61 =	vor.u32 v25, v33;
	v60 =	vld.idx.msk [tilespmem:v49+s12+$0x0], $0xffff  }
0xdc: {  	v62 =	vld.idx.msk [tilespmem:v53+s11+$0x0], $0xffff;
	v63 =	vmul.f32 v52, v50;
	v34 =	vadd.f32 v59, v34  }
0xdd: {  	v49 =	vor.u32 v26, v33;
	v48 =	vld.idx.msk [tilespmem:v53+s12+$0x0], $0xffff  }
0xde: {  	v50 =	vld.idx.msk [tilespmem:v57+s11+$0x0], $0xffff;
	v51 =	vmul.f32 v56, v54;
	v34 =	vadd.f32 v63, v34  }
0xdf: {  	v53 =	vor.u32 v27, v33;
	v52 =	vld.idx.msk [tilespmem:v57+s12+$0x0], $0xffff  }
0xe0: {  	v54 =	vld.idx.msk [tilespmem:v61+s11+$0x0], $0xffff;
	v55 =	vmul.f32 v60, v58;
	v34 =	vadd.f32 v51, v34  }
0xe1: {  	v57 =	vor.u32 v29, v33;
	v56 =	vld.idx.msk [tilespmem:v61+s12+$0x0], $0xffff  }
0xe2: {  	v58 =	vld.idx.msk [tilespmem:v49+s11+$0x0], $0xffff;
	v59 =	vmul.f32 v48, v62;
	v34 =	vadd.f32 v55, v34  }
0xe3: {  	v61 =	vor.u32 v30, v33;
	v60 =	vld.idx.msk [tilespmem:v49+s12+$0x0], $0xffff  }
0xe4: {  	v62 =	vld.idx.msk [tilespmem:v53+s11+$0x0], $0xffff;
	v63 =	vmul.f32 v52, v50;
	v34 =	vadd.f32 v59, v34  }
0xe5: {  	v49 =	vor.u32 v31, v33;
	v48 =	vld.idx.msk [tilespmem:v53+s12+$0x0], $0xffff  }
0xe6: {  	v50 =	vld.idx.msk [tilespmem:v57+s11+$0x0], $0xffff;
	v51 =	vmul.f32 v56, v54;
	v34 =	vadd.f32 v63, v34  }
0xe7: {  	v33 =	vor.u32 v32, v33;
	v52 =	vld.idx.msk [tilespmem:v57+s12+$0x0], $0xffff  }
0xe8: {  	v53 =	vld.idx.msk [tilespmem:v61+s11+$0x0], $0xffff;
	v54 =	vmul.f32 v60, v58;
	v34 =	vadd.f32 v51, v34  }
0xe9: {  	v55 =	vld.idx.msk [tilespmem:v61+s12+$0x0], $0xffff  }
0xea: {  	v56 =	vld.idx.msk [tilespmem:v49+s11+$0x0], $0xffff;
	v57 =	vmul.f32 v48, v62;
	v34 =	vadd.f32 v54, v34  }
0xeb: {  	v58 =	vld.idx.msk [tilespmem:v49+s12+$0x0], $0xffff  }
0xec: {  	v60 =	vmul.f32 v52, v50;
	v59 =	vld.idx.msk [tilespmem:v33+s11+$0x0], $0xffff;
	v34 =	vadd.f32 v57, v34  }
0xed: {  	v33 =	vld.idx.msk [tilespmem:v33+s12+$0x0], $0xffff  }
0xee: {  	v61 =	vmul.f32 v55, v53;
	v34 =	vadd.f32 v60, v34;
	_ =	sdelay $0x1  }
0xef: {  	v62 =	vmul.f32 v58, v56;
	v34 =	vadd.f32 v61, v34;
	_ =	sdelay $0x1  }
0xf0: {  	v33 =	vmul.f32 v33, v59;
	v34 =	vadd.f32 v62, v34;
	_ =	sdelay $0x1  }
0xf1: {  	v33 =	vadd.f32 v33, v34;
	_ =	sdelay $0x1  }
0xf2: {  	v33 =	vsub.f32 $0.0e+00, v33;
	_ =	sdelay $0x1  }
0xf3: {  	v33 =	vmul.f32 $1.442695020e+00, v33;
	_ =	sdelay $0x1  }
0xf4: {  	(erf) = vpow2.f32 v33;
	_ =	sdelay $0x8  }
0xf5: {  	v33 =	vpop (erf)  }
0xf6: {  	v33 =	vadd.f32 $1.000000000e+00, v33;
	_ =	sdelay $0x1  }
0xf7: {  	(erf) = vrcp.f32 v33;
	_ =	sdelay $0x1  }
0xf8: {  	s29 =	simm.s32 $0x20  }
0xf9: {  	v63 =	vmov s29  }
0xfa: {  	s30 =	simm.s32 $0x30;
	s29 =	simm.s32 $0x8400;
	v33 =	vshll.u32 v63, $0x5  }
.LBB2_2:
0xfb: {  	p0 =	sne.s32 s30, $0x1F0;
	v33 =	vor.u32 v1, v33  }
0xfc: {  	v34 =	vor.u32 v0, v33;
	_ =	sdelay $0x1  }
0xfd: {  	v35 =	vor.u32 v2, v33  }
0xfe: {  	s29 =	sadd.s32 $0x10, s29;
	v36 =	vpop (erf)  }
0xff: {  	v37 =	vor.u32 v3, v33;
	[tilespmem:s29+$0x0] =	vst v36  }
0x100: {  	v36 =	vld.idx.msk [tilespmem:v34+s12+$0x0], $0xffff  }
0x101: {  	v38 =	vor.u32 v4, v33;
	v34 =	vld.idx.msk [tilespmem:v34+s11+$0x0], $0xffff  }
0x102: {  	v39 =	vld.idx.msk [tilespmem:v35+s11+$0x0], $0xffff  }
0x103: {  	v40 =	vor.u32 v5, v33;
	v35 =	vld.idx.msk [tilespmem:v35+s12+$0x0], $0xffff  }
0x104: {  	v41 =	vld.idx.msk [tilespmem:v37+s11+$0x0], $0xffff  }
0x105: {  	v42 =	vor.u32 v6, v33;
	v37 =	vld.idx.msk [tilespmem:v37+s12+$0x0], $0xffff  }
0x106: {  	v43 =	vld.idx.msk [tilespmem:v38+s11+$0x0], $0xffff  }
0x107: {  	v34 =	vmul.f32 v36, v34;
	v36 =	vld.idx.msk [tilespmem:v38+s12+$0x0], $0xffff;
	v38 =	vor.u32 v7, v33  }
0x108: {  	v44 =	vld.idx.msk [tilespmem:v40+s11+$0x0], $0xffff  }
0x109: {  	v34 =	vadd.f32 $0.0e+00, v34;
	v35 =	vmul.f32 v35, v39;
	v39 =	vld.idx.msk [tilespmem:v40+s12+$0x0], $0xffff;
	v40 =	vor.u32 v8, v33  }
0x10a: {  	v45 =	vld.idx.msk [tilespmem:v42+s11+$0x0], $0xffff  }
0x10b: {  	v34 =	vadd.f32 v35, v34;
	v35 =	vmul.f32 v37, v41;
	v41 =	vor.u32 v9, v33;
	v37 =	vld.idx.msk [tilespmem:v42+s12+$0x0], $0xffff  }
0x10c: {  	v42 =	vld.idx.msk [tilespmem:v38+s11+$0x0], $0xffff  }
0x10d: {  	v34 =	vadd.f32 v35, v34;
	v35 =	vmul.f32 v36, v43;
	v36 =	vld.idx.msk [tilespmem:v38+s12+$0x0], $0xffff;
	v38 =	vor.u32 v10, v33  }
0x10e: {  	v43 =	vld.idx.msk [tilespmem:v40+s11+$0x0], $0xffff  }
0x10f: {  	v34 =	vadd.f32 v35, v34;
	v35 =	vmul.f32 v39, v44;
	v39 =	vld.idx.msk [tilespmem:v40+s12+$0x0], $0xffff;
	v40 =	vor.u32 v11, v33  }
0x110: {  	v44 =	vld.idx.msk [tilespmem:v41+s11+$0x0], $0xffff  }
0x111: {  	v34 =	vadd.f32 v35, v34;
	v35 =	vmul.f32 v37, v45;
	v37 =	vld.idx.msk [tilespmem:v41+s12+$0x0], $0xffff;
	v41 =	vor.u32 v12, v33  }
0x112: {  	v45 =	vld.idx.msk [tilespmem:v38+s11+$0x0], $0xffff  }
0x113: {  	v34 =	vadd.f32 v35, v34;
	v35 =	vmul.f32 v36, v42;
	v36 =	vld.idx.msk [tilespmem:v38+s12+$0x0], $0xffff;
	v38 =	vor.u32 v13, v33  }
0x114: {  	v42 =	vld.idx.msk [tilespmem:v40+s11+$0x0], $0xffff  }
0x115: {  	v34 =	vadd.f32 v35, v34;
	v35 =	vmul.f32 v39, v43;
	v39 =	vld.idx.msk [tilespmem:v40+s12+$0x0], $0xffff;
	v40 =	vor.u32 v14, v33  }
0x116: {  	v43 =	vld.idx.msk [tilespmem:v41+s11+$0x0], $0xffff  }
0x117: {  	v34 =	vadd.f32 v35, v34;
	v35 =	vmul.f32 v37, v44;
	v37 =	vld.idx.msk [tilespmem:v41+s12+$0x0], $0xffff;
	v41 =	vor.u32 v15, v33  }
0x118: {  	v44 =	vld.idx.msk [tilespmem:v38+s11+$0x0], $0xffff  }
0x119: {  	v34 =	vadd.f32 v35, v34;
	v35 =	vmul.f32 v36, v45;
	v36 =	vld.idx.msk [tilespmem:v38+s12+$0x0], $0xffff;
	v38 =	vor.u32 v16, v33  }
0x11a: {  	v45 =	vld.idx.msk [tilespmem:v40+s11+$0x0], $0xffff  }
0x11b: {  	v34 =	vadd.f32 v35, v34;
	v35 =	vmul.f32 v39, v42;
	v39 =	vld.idx.msk [tilespmem:v40+s12+$0x0], $0xffff;
	v40 =	vor.u32 v28, v33  }
0x11c: {  	v42 =	vld.idx.msk [tilespmem:v41+s11+$0x0], $0xffff  }
0x11d: {  	v34 =	vadd.f32 v35, v34;
	v35 =	vmul.f32 v37, v43;
	v37 =	vld.idx.msk [tilespmem:v41+s12+$0x0], $0xffff;
	v41 =	vor.u32 v17, v33  }
0x11e: {  	v43 =	vld.idx.msk [tilespmem:v38+s11+$0x0], $0xffff  }
0x11f: {  	v34 =	vadd.f32 v35, v34;
	v35 =	vmul.f32 v36, v44;
	v36 =	vld.idx.msk [tilespmem:v38+s12+$0x0], $0xffff;
	v38 =	vor.u32 v19, v33  }
0x120: {  	v44 =	vld.idx.msk [tilespmem:v40+s11+$0x0], $0xffff  }
0x121: {  	v34 =	vadd.f32 v35, v34;
	v35 =	vmul.f32 v39, v45;
	v39 =	vld.idx.msk [tilespmem:v40+s12+$0x0], $0xffff;
	v40 =	vor.u32 v20, v33  }
0x122: {  	v45 =	vld.idx.msk [tilespmem:v41+s11+$0x0], $0xffff  }
0x123: {  	v34 =	vadd.f32 v35, v34;
	v35 =	vmul.f32 v37, v42;
	v37 =	vld.idx.msk [tilespmem:v41+s12+$0x0], $0xffff;
	v41 =	vor.u32 v18, v33  }
0x124: {  	v42 =	vld.idx.msk [tilespmem:v38+s11+$0x0], $0xffff  }
0x125: {  	v34 =	vadd.f32 v35, v34;
	v35 =	vmul.f32 v36, v43;
	v36 =	vld.idx.msk [tilespmem:v38+s12+$0x0], $0xffff;
	v38 =	vor.u32 v21, v33  }
0x126: {  	v43 =	vld.idx.msk [tilespmem:v40+s11+$0x0], $0xffff  }
0x127: {  	v34 =	vadd.f32 v35, v34;
	v35 =	vmul.f32 v39, v44;
	v39 =	vld.idx.msk [tilespmem:v40+s12+$0x0], $0xffff;
	v40 =	vor.u32 v22, v33  }
0x128: {  	v44 =	vld.idx.msk [tilespmem:v41+s11+$0x0], $0xffff  }
0x129: {  	v34 =	vadd.f32 v35, v34;
	v35 =	vmul.f32 v37, v45;
	v37 =	vld.idx.msk [tilespmem:v41+s12+$0x0], $0xffff;
	v41 =	vor.u32 v23, v33  }
0x12a: {  	v45 =	vld.idx.msk [tilespmem:v38+s11+$0x0], $0xffff  }
0x12b: {  	v34 =	vadd.f32 v35, v34;
	v35 =	vmul.f32 v36, v42;
	v36 =	vld.idx.msk [tilespmem:v38+s12+$0x0], $0xffff;
	v38 =	vor.u32 v24, v33  }
0x12c: {  	v42 =	vld.idx.msk [tilespmem:v40+s11+$0x0], $0xffff  }
0x12d: {  	v34 =	vadd.f32 v35, v34;
	v35 =	vmul.f32 v39, v43;
	v39 =	vld.idx.msk [tilespmem:v40+s12+$0x0], $0xffff;
	v40 =	vor.u32 v25, v33  }
0x12e: {  	v43 =	vld.idx.msk [tilespmem:v41+s11+$0x0], $0xffff  }
0x12f: {  	v34 =	vadd.f32 v35, v34;
	v35 =	vmul.f32 v37, v44;
	v37 =	vld.idx.msk [tilespmem:v41+s12+$0x0], $0xffff;
	v41 =	vor.u32 v26, v33  }
0x130: {  	v44 =	vld.idx.msk [tilespmem:v38+s11+$0x0], $0xffff  }
0x131: {  	v34 =	vadd.f32 v35, v34;
	v35 =	vmul.f32 v36, v45;
	v36 =	vld.idx.msk [tilespmem:v38+s12+$0x0], $0xffff;
	v38 =	vor.u32 v27, v33  }
0x132: {  	v45 =	vld.idx.msk [tilespmem:v40+s11+$0x0], $0xffff  }
0x133: {  	v34 =	vadd.f32 v35, v34;
	v35 =	vmul.f32 v39, v42;
	v39 =	vld.idx.msk [tilespmem:v40+s12+$0x0], $0xffff;
	v40 =	vor.u32 v29, v33  }
0x134: {  	v42 =	vld.idx.msk [tilespmem:v41+s11+$0x0], $0xffff  }
0x135: {  	v34 =	vadd.f32 v35, v34;
	v35 =	vmul.f32 v37, v43;
	v37 =	vld.idx.msk [tilespmem:v41+s12+$0x0], $0xffff;
	v41 =	vor.u32 v30, v33  }
0x136: {  	v43 =	vld.idx.msk [tilespmem:v38+s11+$0x0], $0xffff  }
0x137: {  	v34 =	vadd.f32 v35, v34;
	v35 =	vmul.f32 v36, v44;
	v36 =	vld.idx.msk [tilespmem:v38+s12+$0x0], $0xffff;
	v38 =	vor.u32 v31, v33  }
0x138: {  	v44 =	vld.idx.msk [tilespmem:v40+s11+$0x0], $0xffff  }
0x139: {  	v33 =	vor.u32 v32, v33;
	v34 =	vadd.f32 v35, v34;
	v35 =	vmul.f32 v39, v45;
	v39 =	vld.idx.msk [tilespmem:v40+s12+$0x0], $0xffff  }
0x13a: {  	v40 =	vld.idx.msk [tilespmem:v41+s11+$0x0], $0xffff  }
0x13b: {  	v34 =	vadd.f32 v35, v34;
	v35 =	vmul.f32 v37, v42;
	v37 =	vld.idx.msk [tilespmem:v41+s12+$0x0], $0xffff  }
0x13c: {  	v41 =	vld.idx.msk [tilespmem:v38+s11+$0x0], $0xffff  }
0x13d: {  	v34 =	vadd.f32 v35, v34;
	v35 =	vmul.f32 v36, v43;
	v36 =	vld.idx.msk [tilespmem:v38+s12+$0x0], $0xffff  }
0x13e: {  	v38 =	vld.idx.msk [tilespmem:v33+s11+$0x0], $0xffff  }
0x13f: {  	v34 =	vadd.f32 v35, v34;
	v35 =	vmul.f32 v39, v44;
	v33 =	vld.idx.msk [tilespmem:v33+s12+$0x0], $0xffff;
	_ =	sdelay $0x1  }
0x140: {  	v34 =	vadd.f32 v35, v34;
	v35 =	vmul.f32 v37, v40;
	_ =	sdelay $0x1  }
0x141: {  	v34 =	vadd.f32 v35, v34;
	v35 =	vmul.f32 v36, v41;
	_ =	sdelay $0x1  }
0x142: {  	v34 =	vadd.f32 v35, v34;
	v33 =	vmul.f32 v33, v38;
	_ =	sdelay $0x1  }
0x143: {  	v33 =	vadd.f32 v33, v34;
	_ =	sdelay $0x1  }
0x144: {  	v33 =	vsub.f32 $0.0e+00, v33;
	_ =	sdelay $0x1  }
0x145: {  	v33 =	vmul.f32 $1.442695020e+00, v33;
	_ =	sdelay $0x1  }
0x146: {  	(erf) = vpow2.f32 v33;
	_ =	sdelay $0x8  }
0x147: {  	v33 =	vpop (erf)  }
0x148: {  	v33 =	vadd.f32 $1.000000000e+00, v33;
	_ =	sdelay $0x1  }
.Ltmp0:
0x149: {  	(erf) = vrcp.f32 v33;
	(pc) =	sbr.rel @p0 .LBB2_2-.Ltmp0, $3  }
0x14a: {  	_ =	sdelay $0x1  }
0x14b: {  	v33 =	vmov s30  }
0x14c: {  	s30 =	sadd.s32 $0x10, s30;
	v33 =	vshll.u32 v33, $0x5  }
0x14d: {  	v33 =	vor.u32 v1, v33  }
0x14e: {  	v34 =	vor.u32 v0, v33;
	_ =	sdelay $0x1  }
0x14f: {  	v35 =	vor.u32 v2, v33  }
0x150: {  	s29 =	sadd.s32 $0x10, s29;
	v36 =	vpop (erf)  }
0x151: {  	v37 =	vor.u32 v3, v33;
	[tilespmem:s29+$0x0] =	vst v36  }
0x152: {  	v36 =	vld.idx.msk [tilespmem:v34+s12+$0x0], $0xffff  }
0x153: {  	v38 =	vor.u32 v4, v33;
	v34 =	vld.idx.msk [tilespmem:v34+s11+$0x0], $0xffff  }
0x154: {  	v39 =	vld.idx.msk [tilespmem:v35+s11+$0x0], $0xffff  }
0x155: {  	v40 =	vor.u32 v5, v33;
	v35 =	vld.idx.msk [tilespmem:v35+s12+$0x0], $0xffff  }
0x156: {  	v41 =	vld.idx.msk [tilespmem:v37+s11+$0x0], $0xffff  }
0x157: {  	v42 =	vor.u32 v6, v33;
	v37 =	vld.idx.msk [tilespmem:v37+s12+$0x0], $0xffff  }
0x158: {  	v43 =	vld.idx.msk [tilespmem:v38+s11+$0x0], $0xffff;
	v34 =	vmul.f32 v36, v34  }
0x159: {  	v53 =	vor.u32 v7, v33;
	v52 =	vld.idx.msk [tilespmem:v38+s12+$0x0], $0xffff  }
0x15a: {  	v44 =	vld.idx.msk [tilespmem:v40+s11+$0x0], $0xffff;
	v35 =	vmul.f32 v35, v39;
	v34 =	vadd.f32 $0.0e+00, v34  }
0x15b: {  	v55 =	vor.u32 v8, v33;
	v54 =	vld.idx.msk [tilespmem:v40+s12+$0x0], $0xffff  }
0x15c: {  	v45 =	vld.idx.msk [tilespmem:v42+s11+$0x0], $0xffff;
	v56 =	vmul.f32 v37, v41;
	v34 =	vadd.f32 v35, v34  }
0x15d: {  	v58 =	vor.u32 v9, v33;
	v57 =	vld.idx.msk [tilespmem:v42+s12+$0x0], $0xffff  }
0x15e: {  	v59 =	vld.idx.msk [tilespmem:v53+s11+$0x0], $0xffff;
	v60 =	vmul.f32 v52, v43;
	v34 =	vadd.f32 v56, v34  }
0x15f: {  	v62 =	vor.u32 v10, v33;
	v61 =	vld.idx.msk [tilespmem:v53+s12+$0x0], $0xffff  }
0x160: {  	v63 =	vld.idx.msk [tilespmem:v55+s11+$0x0], $0xffff;
	v48 =	vmul.f32 v54, v44;
	v34 =	vadd.f32 v60, v34  }
0x161: {  	v50 =	vor.u32 v11, v33;
	v49 =	vld.idx.msk [tilespmem:v55+s12+$0x0], $0xffff  }
0x162: {  	v51 =	vld.idx.msk [tilespmem:v58+s11+$0x0], $0xffff;
	v52 =	vmul.f32 v57, v45;
	v34 =	vadd.f32 v48, v34  }
0x163: {  	v53 =	vld.idx.msk [tilespmem:v58+s12+$0x0], $0xffff;
	v54 =	vor.u32 v12, v33  }
0x164: {  	v55 =	vld.idx.msk [tilespmem:v62+s11+$0x0], $0xffff;
	v56 =	vmul.f32 v61, v59;
	v34 =	vadd.f32 v52, v34  }
0x165: {  	v58 =	vor.u32 v13, v33;
	v57 =	vld.idx.msk [tilespmem:v62+s12+$0x0], $0xffff  }
0x166: {  	v59 =	vld.idx.msk [tilespmem:v50+s11+$0x0], $0xffff;
	v60 =	vmul.f32 v49, v63;
	v34 =	vadd.f32 v56, v34  }
0x167: {  	v62 =	vor.u32 v14, v33;
	v61 =	vld.idx.msk [tilespmem:v50+s12+$0x0], $0xffff  }
0x168: {  	v63 =	vld.idx.msk [tilespmem:v54+s11+$0x0], $0xffff;
	v48 =	vmul.f32 v53, v51;
	v34 =	vadd.f32 v60, v34  }
0x169: {  	v50 =	vor.u32 v15, v33;
	v49 =	vld.idx.msk [tilespmem:v54+s12+$0x0], $0xffff  }
0x16a: {  	v51 =	vld.idx.msk [tilespmem:v58+s11+$0x0], $0xffff;
	v52 =	vmul.f32 v57, v55;
	v34 =	vadd.f32 v48, v34  }
0x16b: {  	v54 =	vor.u32 v16, v33;
	v53 =	vld.idx.msk [tilespmem:v58+s12+$0x0], $0xffff  }
0x16c: {  	v55 =	vld.idx.msk [tilespmem:v62+s11+$0x0], $0xffff;
	v56 =	vmul.f32 v61, v59;
	v34 =	vadd.f32 v52, v34  }
0x16d: {  	v58 =	vor.u32 v28, v33;
	v57 =	vld.idx.msk [tilespmem:v62+s12+$0x0], $0xffff  }
0x16e: {  	v59 =	vld.idx.msk [tilespmem:v50+s11+$0x0], $0xffff;
	v60 =	vmul.f32 v49, v63;
	v34 =	vadd.f32 v56, v34  }
0x16f: {  	v62 =	vor.u32 v17, v33;
	v61 =	vld.idx.msk [tilespmem:v50+s12+$0x0], $0xffff  }
0x170: {  	v63 =	vld.idx.msk [tilespmem:v54+s11+$0x0], $0xffff;
	v48 =	vmul.f32 v53, v51;
	v34 =	vadd.f32 v60, v34  }
0x171: {  	v50 =	vor.u32 v19, v33;
	v49 =	vld.idx.msk [tilespmem:v54+s12+$0x0], $0xffff  }
0x172: {  	v51 =	vld.idx.msk [tilespmem:v58+s11+$0x0], $0xffff;
	v52 =	vmul.f32 v57, v55;
	v34 =	vadd.f32 v48, v34  }
0x173: {  	v54 =	vor.u32 v20, v33;
	v53 =	vld.idx.msk [tilespmem:v58+s12+$0x0], $0xffff  }
0x174: {  	v55 =	vld.idx.msk [tilespmem:v62+s11+$0x0], $0xffff;
	v56 =	vmul.f32 v61, v59;
	v34 =	vadd.f32 v52, v34  }
0x175: {  	v58 =	vor.u32 v18, v33;
	v57 =	vld.idx.msk [tilespmem:v62+s12+$0x0], $0xffff  }
0x176: {  	v59 =	vld.idx.msk [tilespmem:v50+s11+$0x0], $0xffff;
	v60 =	vmul.f32 v49, v63;
	v34 =	vadd.f32 v56, v34  }
0x177: {  	v62 =	vor.u32 v21, v33;
	v61 =	vld.idx.msk [tilespmem:v50+s12+$0x0], $0xffff  }
0x178: {  	v63 =	vld.idx.msk [tilespmem:v54+s11+$0x0], $0xffff;
	v48 =	vmul.f32 v53, v51;
	v34 =	vadd.f32 v60, v34  }
0x179: {  	v50 =	vor.u32 v22, v33;
	v49 =	vld.idx.msk [tilespmem:v54+s12+$0x0], $0xffff  }
0x17a: {  	v51 =	vld.idx.msk [tilespmem:v58+s11+$0x0], $0xffff;
	v52 =	vmul.f32 v57, v55;
	v34 =	vadd.f32 v48, v34  }
0x17b: {  	v54 =	vor.u32 v23, v33;
	v53 =	vld.idx.msk [tilespmem:v58+s12+$0x0], $0xffff  }
0x17c: {  	v55 =	vld.idx.msk [tilespmem:v62+s11+$0x0], $0xffff;
	v56 =	vmul.f32 v61, v59;
	v34 =	vadd.f32 v52, v34  }
0x17d: {  	v58 =	vor.u32 v24, v33;
	v57 =	vld.idx.msk [tilespmem:v62+s12+$0x0], $0xffff  }
0x17e: {  	v59 =	vld.idx.msk [tilespmem:v50+s11+$0x0], $0xffff;
	v60 =	vmul.f32 v49, v63;
	v34 =	vadd.f32 v56, v34  }
0x17f: {  	v62 =	vor.u32 v25, v33;
	v61 =	vld.idx.msk [tilespmem:v50+s12+$0x0], $0xffff  }
0x180: {  	v63 =	vld.idx.msk [tilespmem:v54+s11+$0x0], $0xffff;
	v48 =	vmul.f32 v53, v51;
	v34 =	vadd.f32 v60, v34  }
0x181: {  	v50 =	vor.u32 v26, v33;
	v49 =	vld.idx.msk [tilespmem:v54+s12+$0x0], $0xffff  }
0x182: {  	v51 =	vld.idx.msk [tilespmem:v58+s11+$0x0], $0xffff;
	v52 =	vmul.f32 v57, v55;
	v34 =	vadd.f32 v48, v34  }
0x183: {  	v54 =	vor.u32 v27, v33;
	v53 =	vld.idx.msk [tilespmem:v58+s12+$0x0], $0xffff  }
0x184: {  	v55 =	vld.idx.msk [tilespmem:v62+s11+$0x0], $0xffff;
	v56 =	vmul.f32 v61, v59;
	v34 =	vadd.f32 v52, v34  }
0x185: {  	v58 =	vor.u32 v29, v33;
	v57 =	vld.idx.msk [tilespmem:v62+s12+$0x0], $0xffff  }
0x186: {  	v59 =	vld.idx.msk [tilespmem:v50+s11+$0x0], $0xffff;
	v60 =	vmul.f32 v49, v63;
	v34 =	vadd.f32 v56, v34  }
0x187: {  	v62 =	vor.u32 v30, v33;
	v61 =	vld.idx.msk [tilespmem:v50+s12+$0x0], $0xffff  }
0x188: {  	v63 =	vld.idx.msk [tilespmem:v54+s11+$0x0], $0xffff;
	v48 =	vmul.f32 v53, v51;
	v34 =	vadd.f32 v60, v34  }
0x189: {  	v50 =	vor.u32 v31, v33;
	v49 =	vld.idx.msk [tilespmem:v54+s12+$0x0], $0xffff  }
0x18a: {  	v51 =	vld.idx.msk [tilespmem:v58+s11+$0x0], $0xffff;
	v52 =	vmul.f32 v57, v55;
	v34 =	vadd.f32 v48, v34  }
0x18b: {  	v33 =	vor.u32 v32, v33;
	v53 =	vld.idx.msk [tilespmem:v58+s12+$0x0], $0xffff  }
0x18c: {  	v54 =	vld.idx.msk [tilespmem:v62+s11+$0x0], $0xffff;
	v55 =	vmul.f32 v61, v59;
	v34 =	vadd.f32 v52, v34  }
0x18d: {  	v56 =	vld.idx.msk [tilespmem:v62+s12+$0x0], $0xffff  }
0x18e: {  	v57 =	vld.idx.msk [tilespmem:v50+s11+$0x0], $0xffff;
	v58 =	vmul.f32 v49, v63;
	v34 =	vadd.f32 v55, v34  }
0x18f: {  	v59 =	vld.idx.msk [tilespmem:v50+s12+$0x0], $0xffff  }
0x190: {  	v61 =	vmul.f32 v53, v51;
	v60 =	vld.idx.msk [tilespmem:v33+s11+$0x0], $0xffff;
	v34 =	vadd.f32 v58, v34  }
0x191: {  	v33 =	vld.idx.msk [tilespmem:v33+s12+$0x0], $0xffff  }
0x192: {  	v62 =	vmul.f32 v56, v54;
	v34 =	vadd.f32 v61, v34;
	_ =	sdelay $0x1  }
0x193: {  	v63 =	vmul.f32 v59, v57;
	v34 =	vadd.f32 v62, v34;
	_ =	sdelay $0x1  }
0x194: {  	v33 =	vmul.f32 v33, v60;
	v34 =	vadd.f32 v63, v34;
	_ =	sdelay $0x1  }
0x195: {  	v33 =	vadd.f32 v33, v34;
	_ =	sdelay $0x1  }
0x196: {  	v33 =	vsub.f32 $0.0e+00, v33;
	_ =	sdelay $0x1  }
0x197: {  	v33 =	vmul.f32 $1.442695020e+00, v33;
	_ =	sdelay $0x1  }
0x198: {  	(erf) = vpow2.f32 v33;
	_ =	sdelay $0x8  }
0x199: {  	v33 =	vpop (erf)  }
0x19a: {  	v33 =	vadd.f32 $1.000000000e+00, v33;
	_ =	sdelay $0x1  }
0x19b: {  	(erf) = vrcp.f32 v33;
	_ =	sdelay $0x7  }
0x19c: {  	s28 =	sadd.s32 $0x1, s28  }
0x19d: {  	p0 =	sne.s32 s28, s8;
	s29 =	sadd.s32 $0x10, s29;
	v33 =	vpop (erf)  }
.Ltmp1:
0x19e: {  	[tilespmem:s29+$0x0] =	vst v33;
	(pc) =	sbr.rel @p0 .LBB2_1-.Ltmp1, $4  }
0x19f: {  	[hbm4b:s7+s1] =	stream.linear.scatter [tilespmem:s26], [sflag:$0x2], $0x200, $0x38;
	[tilespmem:$0x8600] =	vst v63  }
0x1a0: {  	_ =	swait.ge [sflag:s9], $0x200  }
0x1a1: {  	[sflag:s9] =	ssyncset.done $0x0  }
0x1a2: {  	[sflag:s9] =	ssyncadd.s32 $0xFFFFFE00  }
0x1a3: {  	_ =	sfence.sel $0x180000  }
0x1a4: {  	[bflag:$0x0] =	sbarrier.arrive $0xFFFF  }
0x1a5: {  	p0 =	sne.s32 s2, $0x0;
	_ =	strace $0x90000047  }
0x1a6: {  	s0 =	sadd.s32 @!p0 $0x100000, s0;
	[bflag:$0x2] =	sbarrier.arrive $0xFFFF  }
0x1a7: {  	[sflag:s0] =	ssyncadd.tile.s32 @!p0 $0x1;
	_ =	shalt  }
.Lfunc_end2:
_tile_overlayer_lowered:
.L_overlay_start_2:
0x1a8: {  	(tag) =	ssettag $0x2  }
0x1a9: {  	s0 =	rddreg [dreg:$0x0];
	s2 =	stileid.u32  }
0x1aa: {  	s1 =	rddreg [dreg:$0x1];
	p0 =	sne.s32 s2, $0x0  }
0x1ab: {  	s3 =	rddreg [dreg:$0x2];
	[bflag:$0x3] =	sbarrier.arrive $0xFFFF;
	s2 =	simm.s32 @!p0 $0x1C02  }
0x1ac: {  	[timem:s3], [sflag:s2] =	dma.local @!p0 [hbm:s0], s1  }
0x1ad: {  	s0 =	simm.s32 @!p0 $0x2  }
0x1ae: {  	_ =	swait.ge @!p0 [sflag:s0], s1  }
0x1af: {  	s1 =	ssub.s32 @!p0 $0x0, s1;
	[sflag:s0] =	ssyncset.done @!p0 $0x0  }
0x1b0: {  	[sflag:s0] =	ssyncadd.s32 @!p0 s1  }
0x1b1: {  	[bflag:$0x3] =	sbarrier.arrive $0xFFFF  }
0x1b2: {  	_ =	shalt  }

</sc_bundles>
